<compile_context>
chip_gen: v7x
topology: tpu7x:2x2x1
jax: 0.10.2.dev20260603
libtpu: 0.0.44.dev20260713+nightly
codegen_flags: <defaults>
</compile_context>

<pallas_src>
import functools

import jax
import jax.numpy as jnp
from jax import lax
from jax.experimental import pallas as pl
from jax.experimental.pallas import tpu as pltpu
from jax.experimental.pallas import tpu_sc as plsc

_L = 16
_R = 32


def _sc_body(x_hbm, tab_hbm, out_hbm, xv, tv, semx, semt):
    info = plsc.get_sparse_core_info()
    nc, ns = info.num_cores, info.num_subcores
    nw = nc * ns
    total_rows, d_model = x_hbm.shape
    seq = tab_hbm.shape[0]
    rows_per_w = total_rows // nw
    wid = lax.axis_index("s") * nc + lax.axis_index("c")
    base = wid * rows_per_w

    def chunk(i, carry):
        r0 = base + i * _R
        t0 = lax.rem(r0, seq)
        cx = pltpu.async_copy(x_hbm.at[pl.ds(r0, _R)], xv, semx)
        ct = pltpu.async_copy(tab_hbm.at[pl.ds(t0, _R)], tv, semt)
        cx.wait()
        ct.wait()

        def row(j, c2):
            for k in range(d_model // _L):
                sl = pl.ds(k * _L, _L)
                plsc.addupdate(xv.at[j, sl], tv[j, sl])
            return c2

        lax.fori_loop(0, _R, row, 0)
        pltpu.sync_copy(xv, out_hbm.at[pl.ds(r0, _R)])
        return carry

    lax.fori_loop(0, rows_per_w // _R, chunk, 0)


def kernel(x, pos_table):
    batch, seq_len, d_model = x.shape
    x2d = x.reshape(batch * seq_len, d_model)
    tab = pos_table[:seq_len]
    mesh = plsc.VectorSubcoreMesh(core_axis_name="c", subcore_axis_name="s")
    k = functools.partial(
        pl.kernel,
        mesh=mesh,
        out_type=jax.ShapeDtypeStruct((batch * seq_len, d_model), jnp.float32),
        scratch_types=[
            pltpu.VMEM((_R, d_model), jnp.float32),
            pltpu.VMEM((_R, d_model), jnp.float32),
            pltpu.SemaphoreType.DMA,
            pltpu.SemaphoreType.DMA,
        ],
    )(_sc_body)
    out2d = k(x2d, tab)
    return out2d.reshape(batch, seq_len, d_model)

# --- scband reference (transcript-rebuilt; emitter-appended) ---
"""Pipeline reference for scband-learnable-position-embedding-27728308863020 (READ-ONLY COPY).

The authoritative reference and input builder live on the scoring server;
editing this copy changes nothing except your own understanding.
"""

import jax, jax.numpy as jnp
import numpy as np

D_MODEL = 1024
MAX_SEQ_LEN = 8192

def setup_inputs(seed: int = 0) -> dict:
    key = jax.random.key(seed)
    k1, k2 = jax.random.split(key)
    x = jax.random.normal(k1, (4, 8192, D_MODEL), dtype=jnp.float32)
    # nn.Embedding default init: N(0, 1)
    pos_table = jax.random.normal(k2, (MAX_SEQ_LEN, D_MODEL), dtype=jnp.float32)
    return {"x": x, "pos_table": pos_table}

def reference(x, pos_table):
    seq_len = x.shape[1]
    positions = jnp.arange(seq_len)[None, :]  # (1, seq_len)
    pos_emb = jnp.take(pos_table, positions, axis=0)  # (1, seq_len, d_model)
    return x + pos_emb

if __name__ == "__main__":
    import jax
    _d = setup_inputs()
    print(jax.jit(kernel)(*tuple(_d.values())))

</pallas_src>

<mosaic_0001>
#map = affine_map<(d0, d1) -> (0, 0)>
module attributes {stable_mosaic.version = 14 : i64} {
  func.func @_sc_body(%arg0: i32, %arg1: i32, %arg2: memref<32768x1024xf32, #tpu.memory_space<hbm>>, %arg3: memref<8192x1024xf32, #tpu.memory_space<hbm>>, %arg4: memref<32768x1024xf32, #tpu.memory_space<hbm>>, %arg5: memref<32x1024xf32, #tpu.memory_space<vmem>>, %arg6: memref<32x1024xf32, #tpu.memory_space<vmem>>, %arg7: memref<!tpu.dma_semaphore, #tpu.memory_space<semaphore_mem>>, %arg8: memref<!tpu.dma_semaphore, #tpu.memory_space<semaphore_mem>>) attributes {dimension_semantics = [#tpu.dimension_semantics<core_parallel>, #tpu.dimension_semantics<subcore_parallel>], iteration_bounds = array<i64: 2, 16>, scalar_prefetch = 0 : i64, scratch_operands = 4 : i64, tpu.core_type = #tpu.core_type<sc_vector_subcore>, window_params = [{transform_indices = #map}, {transform_indices = #map}, {transform_indices = #map}]} {
    %mul3A = arith.constant 2 : i32
    %mul3A_0 = arith.muli %arg1, %mul3A : i32
    %add3A = arith.addi %mul3A_0, %arg0 : i32
    %mul3A_1 = arith.constant 1024 : i32
    %mul3A_2 = arith.muli %add3A, %mul3A_1 : i32
    %scan3A = arith.constant 0 : i32
    %scan3A_3 = arith.constant 0 : i32
    %scan3A_4 = arith.constant 32 : i32
    %scan3A_5 = arith.addi %scan3A_3, %scan3A_4 : i32
    %scan3A_6 = arith.constant 1 : i32
    scf.for %scan3A_8 = %scan3A_3 to %scan3A_5 step %scan3A_6  : i32 {
      %mul3A_9 = arith.constant 32 : i32
      %mul3A_10 = arith.muli %scan3A_8, %mul3A_9 : i32
      %add3A_11 = arith.addi %mul3A_2, %mul3A_10 : i32
      %rem3A = arith.constant 8192 : i32
      %rem3A_12 = arith.remsi %add3A_11, %rem3A : i32
      %dma_start3A = arith.constant 0 : i32
      %dma_start3A_13 = tpu.memref_slice %arg2[%add3A_11, %dma_start3A] : memref<32768x1024xf32, #tpu.memory_space<hbm>> -> memref<32x1024xf32, #tpu.memory_space<hbm>>
      %dma_start3A_14 = arith.constant 0 : i32
      %dma_start3A_15 = tpu.memref_slice %arg2[%add3A_11, %dma_start3A_14] : memref<32768x1024xf32, #tpu.memory_space<hbm>> -> memref<32x1024xf32, #tpu.memory_space<hbm>>
      tpu.enqueue_dma source(%dma_start3A_15 : memref<32x1024xf32, #tpu.memory_space<hbm>>) target(%arg5 : memref<32x1024xf32, #tpu.memory_space<vmem>>) target_semaphore(%arg7 : memref<!tpu.dma_semaphore, #tpu.memory_space<semaphore_mem>>)
      %dma_start3A_16 = arith.constant 0 : i32
      %dma_start3A_17 = tpu.memref_slice %arg3[%rem3A_12, %dma_start3A_16] : memref<8192x1024xf32, #tpu.memory_space<hbm>> -> memref<32x1024xf32, #tpu.memory_space<hbm>>
      %dma_start3A_18 = arith.constant 0 : i32
      %dma_start3A_19 = tpu.memref_slice %arg3[%rem3A_12, %dma_start3A_18] : memref<8192x1024xf32, #tpu.memory_space<hbm>> -> memref<32x1024xf32, #tpu.memory_space<hbm>>
      tpu.enqueue_dma source(%dma_start3A_19 : memref<32x1024xf32, #tpu.memory_space<hbm>>) target(%arg6 : memref<32x1024xf32, #tpu.memory_space<vmem>>) target_semaphore(%arg8 : memref<!tpu.dma_semaphore, #tpu.memory_space<semaphore_mem>>)
      %dma_wait3A = arith.constant 0 : i32
      %dma_wait3A_20 = tpu.memref_slice %arg2[%add3A_11, %dma_wait3A] : memref<32768x1024xf32, #tpu.memory_space<hbm>> -> memref<32x1024xf32, #tpu.memory_space<hbm>>
      %dma_wait3A_21 = arith.constant 0 : i32
      %dma_wait3A_22 = tpu.memref_slice %arg2[%add3A_11, %dma_wait3A_21] : memref<32768x1024xf32, #tpu.memory_space<hbm>> -> memref<32x1024xf32, #tpu.memory_space<hbm>>
      tpu.wait_dma2 semaphore(%arg7 : memref<!tpu.dma_semaphore, #tpu.memory_space<semaphore_mem>>) src(%dma_wait3A_22 : memref<32x1024xf32, #tpu.memory_space<hbm>>) dst(%arg5 : memref<32x1024xf32, #tpu.memory_space<vmem>>)
      %dma_wait3A_23 = arith.constant 0 : i32
      %dma_wait3A_24 = tpu.memref_slice %arg3[%rem3A_12, %dma_wait3A_23] : memref<8192x1024xf32, #tpu.memory_space<hbm>> -> memref<32x1024xf32, #tpu.memory_space<hbm>>
      %dma_wait3A_25 = arith.constant 0 : i32
      %dma_wait3A_26 = tpu.memref_slice %arg3[%rem3A_12, %dma_wait3A_25] : memref<8192x1024xf32, #tpu.memory_space<hbm>> -> memref<32x1024xf32, #tpu.memory_space<hbm>>
      tpu.wait_dma2 semaphore(%arg8 : memref<!tpu.dma_semaphore, #tpu.memory_space<semaphore_mem>>) src(%dma_wait3A_26 : memref<32x1024xf32, #tpu.memory_space<hbm>>) dst(%arg6 : memref<32x1024xf32, #tpu.memory_space<vmem>>)
      %scan3A_27 = arith.constant 0 : i32
      %scan3A_28 = arith.constant 0 : i32
      %scan3A_29 = arith.constant 32 : i32
      %scan3A_30 = arith.addi %scan3A_28, %scan3A_29 : i32
      %scan3A_31 = arith.constant 1 : i32
      scf.for %scan3A_33 = %scan3A_28 to %scan3A_30 step %scan3A_31  : i32 {
        %get3A = arith.index_cast %scan3A_33 : i32 to index
        %get3A_34 = arith.constant 0 : index
        %get3A_35 = tpu.vector_load %arg6[%get3A, %get3A_34] {strides = array<i32>} : memref<32x1024xf32, #tpu.memory_space<vmem>>, vector<1x16xf32>,
        %get3A_36 = vector.shape_cast %get3A_35 : vector<1x16xf32> to vector<16xf32>
        %swap3A = arith.index_cast %scan3A_33 : i32 to index
        %swap3A_37 = arith.constant 0 : index
        %swap3A_38 = tpu.vector_load %arg5[%swap3A, %swap3A_37] {strides = array<i32>} : memref<32x1024xf32, #tpu.memory_space<vmem>>, vector<1x16xf32>,
        %swap3A_39 = vector.shape_cast %swap3A_38 : vector<1x16xf32> to vector<16xf32>
        %swap3A_40 = vector.shape_cast %get3A_36 : vector<16xf32> to vector<1x16xf32>
        tpu.vector_store %arg5[%swap3A, %swap3A_37], %swap3A_40 {add = true, strides = array<i32>} : memref<32x1024xf32, #tpu.memory_space<vmem>>, vector<1x16xf32>,
        %get3A_41 = arith.index_cast %scan3A_33 : i32 to index
        %get3A_42 = arith.constant 16 : index
        %get3A_43 = tpu.vector_load %arg6[%get3A_41, %get3A_42] {strides = array<i32>} : memref<32x1024xf32, #tpu.memory_space<vmem>>, vector<1x16xf32>,
        %get3A_44 = vector.shape_cast %get3A_43 : vector<1x16xf32> to vector<16xf32>
        %swap3A_45 = arith.index_cast %scan3A_33 : i32 to index
        %swap3A_46 = arith.constant 16 : index
        %swap3A_47 = tpu.vector_load %arg5[%swap3A_45, %swap3A_46] {strides = array<i32>} : memref<32x1024xf32, #tpu.memory_space<vmem>>, vector<1x16xf32>,
        %swap3A_48 = vector.shape_cast %swap3A_47 : vector<1x16xf32> to vector<16xf32>
        %swap3A_49 = vector.shape_cast %get3A_44 : vector<16xf32> to vector<1x16xf32>
        tpu.vector_store %arg5[%swap3A_45, %swap3A_46], %swap3A_49 {add = true, strides = array<i32>} : memref<32x1024xf32, #tpu.memory_space<vmem>>, vector<1x16xf32>,
        %get3A_50 = arith.index_cast %scan3A_33 : i32 to index
        %get3A_51 = arith.constant 32 : index
        %get3A_52 = tpu.vector_load %arg6[%get3A_50, %get3A_51] {strides = array<i32>} : memref<32x1024xf32, #tpu.memory_space<vmem>>, vector<1x16xf32>,
        %get3A_53 = vector.shape_cast %get3A_52 : vector<1x16xf32> to vector<16xf32>
        %swap3A_54 = arith.index_cast %scan3A_33 : i32 to index
        %swap3A_55 = arith.constant 32 : index
        %swap3A_56 = tpu.vector_load %arg5[%swap3A_54, %swap3A_55] {strides = array<i32>} : memref<32x1024xf32, #tpu.memory_space<vmem>>, vector<1x16xf32>,
        %swap3A_57 = vector.shape_cast %swap3A_56 : vector<1x16xf32> to vector<16xf32>
        %swap3A_58 = vector.shape_cast %get3A_53 : vector<16xf32> to vector<1x16xf32>
        tpu.vector_store %arg5[%swap3A_54, %swap3A_55], %swap3A_58 {add = true, strides = array<i32>} : memref<32x1024xf32, #tpu.memory_space<vmem>>, vector<1x16xf32>,
        %get3A_59 = arith.index_cast %scan3A_33 : i32 to index
        %get3A_60 = arith.constant 48 : index
        %get3A_61 = tpu.vector_load %arg6[%get3A_59, %get3A_60] {strides = array<i32>} : memref<32x1024xf32, #tpu.memory_space<vmem>>, vector<1x16xf32>,
        %get3A_62 = vector.shape_cast %get3A_61 : vector<1x16xf32> to vector<16xf32>
        %swap3A_63 = arith.index_cast %scan3A_33 : i32 to index
        %swap3A_64 = arith.constant 48 : index
        %swap3A_65 = tpu.vector_load %arg5[%swap3A_63, %swap3A_64] {strides = array<i32>} : memref<32x1024xf32, #tpu.memory_space<vmem>>, vector<1x16xf32>,
        %swap3A_66 = vector.shape_cast %swap3A_65 : vector<1x16xf32> to vector<16xf32>
        %swap3A_67 = vector.shape_cast %get3A_62 : vector<16xf32> to vector<1x16xf32>
        tpu.vector_store %arg5[%swap3A_63, %swap3A_64], %swap3A_67 {add = true, strides = array<i32>} : memref<32x1024xf32, #tpu.memory_space<vmem>>, vector<1x16xf32>,
        %get3A_68 = arith.index_cast %scan3A_33 : i32 to index
        %get3A_69 = arith.constant 64 : index
        %get3A_70 = tpu.vector_load %arg6[%get3A_68, %get3A_69] {strides = array<i32>} : memref<32x1024xf32, #tpu.memory_space<vmem>>, vector<1x16xf32>,
        %get3A_71 = vector.shape_cast %get3A_70 : vector<1x16xf32> to vector<16xf32>
        %swap3A_72 = arith.index_cast %scan3A_33 : i32 to index
        %swap3A_73 = arith.constant 64 : index
        %swap3A_74 = tpu.vector_load %arg5[%swap3A_72, %swap3A_73] {strides = array<i32>} : memref<32x1024xf32, #tpu.memory_space<vmem>>, vector<1x16xf32>,
        %swap3A_75 = vector.shape_cast %swap3A_74 : vector<1x16xf32> to vector<16xf32>
        %swap3A_76 = vector.shape_cast %get3A_71 : vector<16xf32> to vector<1x16xf32>
        tpu.vector_store %arg5[%swap3A_72, %swap3A_73], %swap3A_76 {add = true, strides = array<i32>} : memref<32x1024xf32, #tpu.memory_space<vmem>>, vector<1x16xf32>,
        %get3A_77 = arith.index_cast %scan3A_33 : i32 to index
        %get3A_78 = arith.constant 80 : index
        %get3A_79 = tpu.vector_load %arg6[%get3A_77, %get3A_78] {strides = array<i32>} : memref<32x1024xf32, #tpu.memory_space<vmem>>, vector<1x16xf32>,
        %get3A_80 = vector.shape_cast %get3A_79 : vector<1x16xf32> to vector<16xf32>
        %swap3A_81 = arith.index_cast %scan3A_33 : i32 to index
        %swap3A_82 = arith.constant 80 : index
        %swap3A_83 = tpu.vector_load %arg5[%swap3A_81, %swap3A_82] {strides = array<i32>} : memref<32x1024xf32, #tpu.memory_space<vmem>>, vector<1x16xf32>,
        %swap3A_84 = vector.shape_cast %swap3A_83 : vector<1x16xf32> to vector<16xf32>
        %swap3A_85 = vector.shape_cast %get3A_80 : vector<16xf32> to vector<1x16xf32>
        tpu.vector_store %arg5[%swap3A_81, %swap3A_82], %swap3A_85 {add = true, strides = array<i32>} : memref<32x1024xf32, #tpu.memory_space<vmem>>, vector<1x16xf32>,
        %get3A_86 = arith.index_cast %scan3A_33 : i32 to index
        %get3A_87 = arith.constant 96 : index
        %get3A_88 = tpu.vector_load %arg6[%get3A_86, %get3A_87] {strides = array<i32>} : memref<32x1024xf32, #tpu.memory_space<vmem>>, vector<1x16xf32>,
        %get3A_89 = vector.shape_cast %get3A_88 : vector<1x16xf32> to vector<16xf32>
        %swap3A_90 = arith.index_cast %scan3A_33 : i32 to index
        %swap3A_91 = arith.constant 96 : index
        %swap3A_92 = tpu.vector_load %arg5[%swap3A_90, %swap3A_91] {strides = array<i32>} : memref<32x1024xf32, #tpu.memory_space<vmem>>, vector<1x16xf32>,
        %swap3A_93 = vector.shape_cast %swap3A_92 : vector<1x16xf32> to vector<16xf32>
        %swap3A_94 = vector.shape_cast %get3A_89 : vector<16xf32> to vector<1x16xf32>
        tpu.vector_store %arg5[%swap3A_90, %swap3A_91], %swap3A_94 {add = true, strides = array<i32>} : memref<32x1024xf32, #tpu.memory_space<vmem>>, vector<1x16xf32>,
        %get3A_95 = arith.index_cast %scan3A_33 : i32 to index
        %get3A_96 = arith.constant 112 : index
        %get3A_97 = tpu.vector_load %arg6[%get3A_95, %get3A_96] {strides = array<i32>} : memref<32x1024xf32, #tpu.memory_space<vmem>>, vector<1x16xf32>,
        %get3A_98 = vector.shape_cast %get3A_97 : vector<1x16xf32> to vector<16xf32>
        %swap3A_99 = arith.index_cast %scan3A_33 : i32 to index
        %swap3A_100 = arith.constant 112 : index
        %swap3A_101 = tpu.vector_load %arg5[%swap3A_99, %swap3A_100] {strides = array<i32>} : memref<32x1024xf32, #tpu.memory_space<vmem>>, vector<1x16xf32>,
        %swap3A_102 = vector.shape_cast %swap3A_101 : vector<1x16xf32> to vector<16xf32>
        %swap3A_103 = vector.shape_cast %get3A_98 : vector<16xf32> to vector<1x16xf32>
        tpu.vector_store %arg5[%swap3A_99, %swap3A_100], %swap3A_103 {add = true, strides = array<i32>} : memref<32x1024xf32, #tpu.memory_space<vmem>>, vector<1x16xf32>,
        %get3A_104 = arith.index_cast %scan3A_33 : i32 to index
        %get3A_105 = arith.constant 128 : index
        %get3A_106 = tpu.vector_load %arg6[%get3A_104, %get3A_105] {strides = array<i32>} : memref<32x1024xf32, #tpu.memory_space<vmem>>, vector<1x16xf32>,
        %get3A_107 = vector.shape_cast %get3A_106 : vector<1x16xf32> to vector<16xf32>
        %swap3A_108 = arith.index_cast %scan3A_33 : i32 to index
        %swap3A_109 = arith.constant 128 : index
        %swap3A_110 = tpu.vector_load %arg5[%swap3A_108, %swap3A_109] {strides = array<i32>} : memref<32x1024xf32, #tpu.memory_space<vmem>>, vector<1x16xf32>,
        %swap3A_111 = vector.shape_cast %swap3A_110 : vector<1x16xf32> to vector<16xf32>
        %swap3A_112 = vector.shape_cast %get3A_107 : vector<16xf32> to vector<1x16xf32>
        tpu.vector_store %arg5[%swap3A_108, %swap3A_109], %swap3A_112 {add = true, strides = array<i32>} : memref<32x1024xf32, #tpu.memory_space<vmem>>, vector<1x16xf32>,
        %get3A_113 = arith.index_cast %scan3A_33 : i32 to index
        %get3A_114 = arith.constant 144 : index
        %get3A_115 = tpu.vector_load %arg6[%get3A_113, %get3A_114] {strides = array<i32>} : memref<32x1024xf32, #tpu.memory_space<vmem>>, vector<1x16xf32>,
        %get3A_116 = vector.shape_cast %get3A_115 : vector<1x16xf32> to vector<16xf32>
        %swap3A_117 = arith.index_cast %scan3A_33 : i32 to index
        %swap3A_118 = arith.constant 144 : index
        %swap3A_119 = tpu.vector_load %arg5[%swap3A_117, %swap3A_118] {strides = array<i32>} : memref<32x1024xf32, #tpu.memory_space<vmem>>, vector<1x16xf32>,
        %swap3A_120 = vector.shape_cast %swap3A_119 : vector<1x16xf32> to vector<16xf32>
        %swap3A_121 = vector.shape_cast %get3A_116 : vector<16xf32> to vector<1x16xf32>
        tpu.vector_store %arg5[%swap3A_117, %swap3A_118], %swap3A_121 {add = true, strides = array<i32>} : memref<32x1024xf32, #tpu.memory_space<vmem>>, vector<1x16xf32>,
        %get3A_122 = arith.index_cast %scan3A_33 : i32 to index
        %get3A_123 = arith.constant 160 : index
        %get3A_124 = tpu.vector_load %arg6[%get3A_122, %get3A_123] {strides = array<i32>} : memref<32x1024xf32, #tpu.memory_space<vmem>>, vector<1x16xf32>,
        %get3A_125 = vector.shape_cast %get3A_124 : vector<1x16xf32> to vector<16xf32>
        %swap3A_126 = arith.index_cast %scan3A_33 : i32 to index
        %swap3A_127 = arith.constant 160 : index
        %swap3A_128 = tpu.vector_load %arg5[%swap3A_126, %swap3A_127] {strides = array<i32>} : memref<32x1024xf32, #tpu.memory_space<vmem>>, vector<1x16xf32>,
        %swap3A_129 = vector.shape_cast %swap3A_128 : vector<1x16xf32> to vector<16xf32>
        %swap3A_130 = vector.shape_cast %get3A_125 : vector<16xf32> to vector<1x16xf32>
        tpu.vector_store %arg5[%swap3A_126, %swap3A_127], %swap3A_130 {add = true, strides = array<i32>} : memref<32x1024xf32, #tpu.memory_space<vmem>>, vector<1x16xf32>,
        %get3A_131 = arith.index_cast %scan3A_33 : i32 to index
        %get3A_132 = arith.constant 176 : index
        %get3A_133 = tpu.vector_load %arg6[%get3A_131, %get3A_132] {strides = array<i32>} : memref<32x1024xf32, #tpu.memory_space<vmem>>, vector<1x16xf32>,
        %get3A_134 = vector.shape_cast %get3A_133 : vector<1x16xf32> to vector<16xf32>
        %swap3A_135 = arith.index_cast %scan3A_33 : i32 to index
        %swap3A_136 = arith.constant 176 : index
        %swap3A_137 = tpu.vector_load %arg5[%swap3A_135, %swap3A_136] {strides = array<i32>} : memref<32x1024xf32, #tpu.memory_space<vmem>>, vector<1x16xf32>,
        %swap3A_138 = vector.shape_cast %swap3A_137 : vector<1x16xf32> to vector<16xf32>
        %swap3A_139 = vector.shape_cast %get3A_134 : vector<16xf32> to vector<1x16xf32>
        tpu.vector_store %arg5[%swap3A_135, %swap3A_136], %swap3A_139 {add = true, strides = array<i32>} : memref<32x1024xf32, #tpu.memory_space<vmem>>, vector<1x16xf32>,
        %get3A_140 = arith.index_cast %scan3A_33 : i32 to index
        %get3A_141 = arith.constant 192 : index
        %get3A_142 = tpu.vector_load %arg6[%get3A_140, %get3A_141] {strides = array<i32>} : memref<32x1024xf32, #tpu.memory_space<vmem>>, vector<1x16xf32>,
        %get3A_143 = vector.shape_cast %get3A_142 : vector<1x16xf32> to vector<16xf32>
        %swap3A_144 = arith.index_cast %scan3A_33 : i32 to index
        %swap3A_145 = arith.constant 192 : index
        %swap3A_146 = tpu.vector_load %arg5[%swap3A_144, %swap3A_145] {strides = array<i32>} : memref<32x1024xf32, #tpu.memory_space<vmem>>, vector<1x16xf32>,
        %swap3A_147 = vector.shape_cast %swap3A_146 : vector<1x16xf32> to vector<16xf32>
        %swap3A_148 = vector.shape_cast %get3A_143 : vector<16xf32> to vector<1x16xf32>
        tpu.vector_store %arg5[%swap3A_144, %swap3A_145], %swap3A_148 {add = true, strides = array<i32>} : memref<32x1024xf32, #tpu.memory_space<vmem>>, vector<1x16xf32>,
        %get3A_149 = arith.index_cast %scan3A_33 : i32 to index
        %get3A_150 = arith.constant 208 : index
        %get3A_151 = tpu.vector_load %arg6[%get3A_149, %get3A_150] {strides = array<i32>} : memref<32x1024xf32, #tpu.memory_space<vmem>>, vector<1x16xf32>,
        %get3A_152 = vector.shape_cast %get3A_151 : vector<1x16xf32> to vector<16xf32>
        %swap3A_153 = arith.index_cast %scan3A_33 : i32 to index
        %swap3A_154 = arith.constant 208 : index
        %swap3A_155 = tpu.vector_load %arg5[%swap3A_153, %swap3A_154] {strides = array<i32>} : memref<32x1024xf32, #tpu.memory_space<vmem>>, vector<1x16xf32>,
        %swap3A_156 = vector.shape_cast %swap3A_155 : vector<1x16xf32> to vector<16xf32>
        %swap3A_157 = vector.shape_cast %get3A_152 : vector<16xf32> to vector<1x16xf32>
        tpu.vector_store %arg5[%swap3A_153, %swap3A_154], %swap3A_157 {add = true, strides = array<i32>} : memref<32x1024xf32, #tpu.memory_space<vmem>>, vector<1x16xf32>,
        %get3A_158 = arith.index_cast %scan3A_33 : i32 to index
        %get3A_159 = arith.constant 224 : index
        %get3A_160 = tpu.vector_load %arg6[%get3A_158, %get3A_159] {strides = array<i32>} : memref<32x1024xf32, #tpu.memory_space<vmem>>, vector<1x16xf32>,
        %get3A_161 = vector.shape_cast %get3A_160 : vector<1x16xf32> to vector<16xf32>
        %swap3A_162 = arith.index_cast %scan3A_33 : i32 to index
        %swap3A_163 = arith.constant 224 : index
        %swap3A_164 = tpu.vector_load %arg5[%swap3A_162, %swap3A_163] {strides = array<i32>} : memref<32x1024xf32, #tpu.memory_space<vmem>>, vector<1x16xf32>,
        %swap3A_165 = vector.shape_cast %swap3A_164 : vector<1x16xf32> to vector<16xf32>
        %swap3A_166 = vector.shape_cast %get3A_161 : vector<16xf32> to vector<1x16xf32>
        tpu.vector_store %arg5[%swap3A_162, %swap3A_163], %swap3A_166 {add = true, strides = array<i32>} : memref<32x1024xf32, #tpu.memory_space<vmem>>, vector<1x16xf32>,
        %get3A_167 = arith.index_cast %scan3A_33 : i32 to index
        %get3A_168 = arith.constant 240 : index
        %get3A_169 = tpu.vector_load %arg6[%get3A_167, %get3A_168] {strides = array<i32>} : memref<32x1024xf32, #tpu.memory_space<vmem>>, vector<1x16xf32>,
        %get3A_170 = vector.shape_cast %get3A_169 : vector<1x16xf32> to vector<16xf32>
        %swap3A_171 = arith.index_cast %scan3A_33 : i32 to index
        %swap3A_172 = arith.constant 240 : index
        %swap3A_173 = tpu.vector_load %arg5[%swap3A_171, %swap3A_172] {strides = array<i32>} : memref<32x1024xf32, #tpu.memory_space<vmem>>, vector<1x16xf32>,
        %swap3A_174 = vector.shape_cast %swap3A_173 : vector<1x16xf32> to vector<16xf32>
        %swap3A_175 = vector.shape_cast %get3A_170 : vector<16xf32> to vector<1x16xf32>
        tpu.vector_store %arg5[%swap3A_171, %swap3A_172], %swap3A_175 {add = true, strides = array<i32>} : memref<32x1024xf32, #tpu.memory_space<vmem>>, vector<1x16xf32>,
        %get3A_176 = arith.index_cast %scan3A_33 : i32 to index
        %get3A_177 = arith.constant 256 : index
        %get3A_178 = tpu.vector_load %arg6[%get3A_176, %get3A_177] {strides = array<i32>} : memref<32x1024xf32, #tpu.memory_space<vmem>>, vector<1x16xf32>,
        %get3A_179 = vector.shape_cast %get3A_178 : vector<1x16xf32> to vector<16xf32>
        %swap3A_180 = arith.index_cast %scan3A_33 : i32 to index
        %swap3A_181 = arith.constant 256 : index
        %swap3A_182 = tpu.vector_load %arg5[%swap3A_180, %swap3A_181] {strides = array<i32>} : memref<32x1024xf32, #tpu.memory_space<vmem>>, vector<1x16xf32>,
        %swap3A_183 = vector.shape_cast %swap3A_182 : vector<1x16xf32> to vector<16xf32>
        %swap3A_184 = vector.shape_cast %get3A_179 : vector<16xf32> to vector<1x16xf32>
        tpu.vector_store %arg5[%swap3A_180, %swap3A_181], %swap3A_184 {add = true, strides = array<i32>} : memref<32x1024xf32, #tpu.memory_space<vmem>>, vector<1x16xf32>,
        %get3A_185 = arith.index_cast %scan3A_33 : i32 to index
        %get3A_186 = arith.constant 272 : index
        %get3A_187 = tpu.vector_load %arg6[%get3A_185, %get3A_186] {strides = array<i32>} : memref<32x1024xf32, #tpu.memory_space<vmem>>, vector<1x16xf32>,
        %get3A_188 = vector.shape_cast %get3A_187 : vector<1x16xf32> to vector<16xf32>
        %swap3A_189 = arith.index_cast %scan3A_33 : i32 to index
        %swap3A_190 = arith.constant 272 : index
        %swap3A_191 = tpu.vector_load %arg5[%swap3A_189, %swap3A_190] {strides = array<i32>} : memref<32x1024xf32, #tpu.memory_space<vmem>>, vector<1x16xf32>,
        %swap3A_192 = vector.shape_cast %swap3A_191 : vector<1x16xf32> to vector<16xf32>
        %swap3A_193 = vector.shape_cast %get3A_188 : vector<16xf32> to vector<1x16xf32>
        tpu.vector_store %arg5[%swap3A_189, %swap3A_190], %swap3A_193 {add = true, strides = array<i32>} : memref<32x1024xf32, #tpu.memory_space<vmem>>, vector<1x16xf32>,
        %get3A_194 = arith.index_cast %scan3A_33 : i32 to index
        %get3A_195 = arith.constant 288 : index
        %get3A_196 = tpu.vector_load %arg6[%get3A_194, %get3A_195] {strides = array<i32>} : memref<32x1024xf32, #tpu.memory_space<vmem>>, vector<1x16xf32>,
        %get3A_197 = vector.shape_cast %get3A_196 : vector<1x16xf32> to vector<16xf32>
        %swap3A_198 = arith.index_cast %scan3A_33 : i32 to index
        %swap3A_199 = arith.constant 288 : index
        %swap3A_200 = tpu.vector_load %arg5[%swap3A_198, %swap3A_199] {strides = array<i32>} : memref<32x1024xf32, #tpu.memory_space<vmem>>, vector<1x16xf32>,
        %swap3A_201 = vector.shape_cast %swap3A_200 : vector<1x16xf32> to vector<16xf32>
        %swap3A_202 = vector.shape_cast %get3A_197 : vector<16xf32> to vector<1x16xf32>
        tpu.vector_store %arg5[%swap3A_198, %swap3A_199], %swap3A_202 {add = true, strides = array<i32>} : memref<32x1024xf32, #tpu.memory_space<vmem>>, vector<1x16xf32>,
        %get3A_203 = arith.index_cast %scan3A_33 : i32 to index
        %get3A_204 = arith.constant 304 : index
        %get3A_205 = tpu.vector_load %arg6[%get3A_203, %get3A_204] {strides = array<i32>} : memref<32x1024xf32, #tpu.memory_space<vmem>>, vector<1x16xf32>,
        %get3A_206 = vector.shape_cast %get3A_205 : vector<1x16xf32> to vector<16xf32>
        %swap3A_207 = arith.index_cast %scan3A_33 : i32 to index
        %swap3A_208 = arith.constant 304 : index
        %swap3A_209 = tpu.vector_load %arg5[%swap3A_207, %swap3A_208] {strides = array<i32>} : memref<32x1024xf32, #tpu.memory_space<vmem>>, vector<1x16xf32>,
        %swap3A_210 = vector.shape_cast %swap3A_209 : vector<1x16xf32> to vector<16xf32>
        %swap3A_211 = vector.shape_cast %get3A_206 : vector<16xf32> to vector<1x16xf32>
        tpu.vector_store %arg5[%swap3A_207, %swap3A_208], %swap3A_211 {add = true, strides = array<i32>} : memref<32x1024xf32, #tpu.memory_space<vmem>>, vector<1x16xf32>,
        %get3A_212 = arith.index_cast %scan3A_33 : i32 to index
        %get3A_213 = arith.constant 320 : index
        %get3A_214 = tpu.vector_load %arg6[%get3A_212, %get3A_213] {strides = array<i32>} : memref<32x1024xf32, #tpu.memory_space<vmem>>, vector<1x16xf32>,
        %get3A_215 = vector.shape_cast %get3A_214 : vector<1x16xf32> to vector<16xf32>
        %swap3A_216 = arith.index_cast %scan3A_33 : i32 to index
        %swap3A_217 = arith.constant 320 : index
        %swap3A_218 = tpu.vector_load %arg5[%swap3A_216, %swap3A_217] {strides = array<i32>} : memref<32x1024xf32, #tpu.memory_space<vmem>>, vector<1x16xf32>,
        %swap3A_219 = vector.shape_cast %swap3A_218 : vector<1x16xf32> to vector<16xf32>
        %swap3A_220 = vector.shape_cast %get3A_215 : vector<16xf32> to vector<1x16xf32>
        tpu.vector_store %arg5[%swap3A_216, %swap3A_217], %swap3A_220 {add = true, strides = array<i32>} : memref<32x1024xf32, #tpu.memory_space<vmem>>, vector<1x16xf32>,
        %get3A_221 = arith.index_cast %scan3A_33 : i32 to index
        %get3A_222 = arith.constant 336 : index
        %get3A_223 = tpu.vector_load %arg6[%get3A_221, %get3A_222] {strides = array<i32>} : memref<32x1024xf32, #tpu.memory_space<vmem>>, vector<1x16xf32>,
        %get3A_224 = vector.shape_cast %get3A_223 : vector<1x16xf32> to vector<16xf32>
        %swap3A_225 = arith.index_cast %scan3A_33 : i32 to index
        %swap3A_226 = arith.constant 336 : index
        %swap3A_227 = tpu.vector_load %arg5[%swap3A_225, %swap3A_226] {strides = array<i32>} : memref<32x1024xf32, #tpu.memory_space<vmem>>, vector<1x16xf32>,
        %swap3A_228 = vector.shape_cast %swap3A_227 : vector<1x16xf32> to vector<16xf32>
        %swap3A_229 = vector.shape_cast %get3A_224 : vector<16xf32> to vector<1x16xf32>
        tpu.vector_store %arg5[%swap3A_225, %swap3A_226], %swap3A_229 {add = true, strides = array<i32>} : memref<32x1024xf32, #tpu.memory_space<vmem>>, vector<1x16xf32>,
        %get3A_230 = arith.index_cast %scan3A_33 : i32 to index
        %get3A_231 = arith.constant 352 : index
        %get3A_232 = tpu.vector_load %arg6[%get3A_230, %get3A_231] {strides = array<i32>} : memref<32x1024xf32, #tpu.memory_space<vmem>>, vector<1x16xf32>,
        %get3A_233 = vector.shape_cast %get3A_232 : vector<1x16xf32> to vector<16xf32>
        %swap3A_234 = arith.index_cast %scan3A_33 : i32 to index
        %swap3A_235 = arith.constant 352 : index
        %swap3A_236 = tpu.vector_load %arg5[%swap3A_234, %swap3A_235] {strides = array<i32>} : memref<32x1024xf32, #tpu.memory_space<vmem>>, vector<1x16xf32>,
        %swap3A_237 = vector.shape_cast %swap3A_236 : vector<1x16xf32> to vector<16xf32>
        %swap3A_238 = vector.shape_cast %get3A_233 : vector<16xf32> to vector<1x16xf32>
        tpu.vector_store %arg5[%swap3A_234, %swap3A_235], %swap3A_238 {add = true, strides = array<i32>} : memref<32x1024xf32, #tpu.memory_space<vmem>>, vector<1x16xf32>,
        %get3A_239 = arith.index_cast %scan3A_33 : i32 to index
        %get3A_240 = arith.constant 368 : index
        %get3A_241 = tpu.vector_load %arg6[%get3A_239, %get3A_240] {strides = array<i32>} : memref<32x1024xf32, #tpu.memory_space<vmem>>, vector<1x16xf32>,
        %get3A_242 = vector.shape_cast %get3A_241 : vector<1x16xf32> to vector<16xf32>
        %swap3A_243 = arith.index_cast %scan3A_33 : i32 to index
        %swap3A_244 = arith.constant 368 : index
        %swap3A_245 = tpu.vector_load %arg5[%swap3A_243, %swap3A_244] {strides = array<i32>} : memref<32x1024xf32, #tpu.memory_space<vmem>>, vector<1x16xf32>,
        %swap3A_246 = vector.shape_cast %swap3A_245 : vector<1x16xf32> to vector<16xf32>
        %swap3A_247 = vector.shape_cast %get3A_242 : vector<16xf32> to vector<1x16xf32>
        tpu.vector_store %arg5[%swap3A_243, %swap3A_244], %swap3A_247 {add = true, strides = array<i32>} : memref<32x1024xf32, #tpu.memory_space<vmem>>, vector<1x16xf32>,
        %get3A_248 = arith.index_cast %scan3A_33 : i32 to index
        %get3A_249 = arith.constant 384 : index
        %get3A_250 = tpu.vector_load %arg6[%get3A_248, %get3A_249] {strides = array<i32>} : memref<32x1024xf32, #tpu.memory_space<vmem>>, vector<1x16xf32>,
        %get3A_251 = vector.shape_cast %get3A_250 : vector<1x16xf32> to vector<16xf32>
        %swap3A_252 = arith.index_cast %scan3A_33 : i32 to index
        %swap3A_253 = arith.constant 384 : index
        %swap3A_254 = tpu.vector_load %arg5[%swap3A_252, %swap3A_253] {strides = array<i32>} : memref<32x1024xf32, #tpu.memory_space<vmem>>, vector<1x16xf32>,
        %swap3A_255 = vector.shape_cast %swap3A_254 : vector<1x16xf32> to vector<16xf32>
        %swap3A_256 = vector.shape_cast %get3A_251 : vector<16xf32> to vector<1x16xf32>
        tpu.vector_store %arg5[%swap3A_252, %swap3A_253], %swap3A_256 {add = true, strides = array<i32>} : memref<32x1024xf32, #tpu.memory_space<vmem>>, vector<1x16xf32>,
        %get3A_257 = arith.index_cast %scan3A_33 : i32 to index
        %get3A_258 = arith.constant 400 : index
        %get3A_259 = tpu.vector_load %arg6[%get3A_257, %get3A_258] {strides = array<i32>} : memref<32x1024xf32, #tpu.memory_space<vmem>>, vector<1x16xf32>,
        %get3A_260 = vector.shape_cast %get3A_259 : vector<1x16xf32> to vector<16xf32>
        %swap3A_261 = arith.index_cast %scan3A_33 : i32 to index
        %swap3A_262 = arith.constant 400 : index
        %swap3A_263 = tpu.vector_load %arg5[%swap3A_261, %swap3A_262] {strides = array<i32>} : memref<32x1024xf32, #tpu.memory_space<vmem>>, vector<1x16xf32>,
        %swap3A_264 = vector.shape_cast %swap3A_263 : vector<1x16xf32> to vector<16xf32>
        %swap3A_265 = vector.shape_cast %get3A_260 : vector<16xf32> to vector<1x16xf32>
        tpu.vector_store %arg5[%swap3A_261, %swap3A_262], %swap3A_265 {add = true, strides = array<i32>} : memref<32x1024xf32, #tpu.memory_space<vmem>>, vector<1x16xf32>,
        %get3A_266 = arith.index_cast %scan3A_33 : i32 to index
        %get3A_267 = arith.constant 416 : index
        %get3A_268 = tpu.vector_load %arg6[%get3A_266, %get3A_267] {strides = array<i32>} : memref<32x1024xf32, #tpu.memory_space<vmem>>, vector<1x16xf32>,
        %get3A_269 = vector.shape_cast %get3A_268 : vector<1x16xf32> to vector<16xf32>
        %swap3A_270 = arith.index_cast %scan3A_33 : i32 to index
        %swap3A_271 = arith.constant 416 : index
        %swap3A_272 = tpu.vector_load %arg5[%swap3A_270, %swap3A_271] {strides = array<i32>} : memref<32x1024xf32, #tpu.memory_space<vmem>>, vector<1x16xf32>,
        %swap3A_273 = vector.shape_cast %swap3A_272 : vector<1x16xf32> to vector<16xf32>
        %swap3A_274 = vector.shape_cast %get3A_269 : vector<16xf32> to vector<1x16xf32>
        tpu.vector_store %arg5[%swap3A_270, %swap3A_271], %swap3A_274 {add = true, strides = array<i32>} : memref<32x1024xf32, #tpu.memory_space<vmem>>, vector<1x16xf32>,
        %get3A_275 = arith.index_cast %scan3A_33 : i32 to index
        %get3A_276 = arith.constant 432 : index
        %get3A_277 = tpu.vector_load %arg6[%get3A_275, %get3A_276] {strides = array<i32>} : memref<32x1024xf32, #tpu.memory_space<vmem>>, vector<1x16xf32>,
        %get3A_278 = vector.shape_cast %get3A_277 : vector<1x16xf32> to vector<16xf32>
        %swap3A_279 = arith.index_cast %scan3A_33 : i32 to index
        %swap3A_280 = arith.constant 432 : index
        %swap3A_281 = tpu.vector_load %arg5[%swap3A_279, %swap3A_280] {strides = array<i32>} : memref<32x1024xf32, #tpu.memory_space<vmem>>, vector<1x16xf32>,
        %swap3A_282 = vector.shape_cast %swap3A_281 : vector<1x16xf32> to vector<16xf32>
        %swap3A_283 = vector.shape_cast %get3A_278 : vector<16xf32> to vector<1x16xf32>
        tpu.vector_store %arg5[%swap3A_279, %swap3A_280], %swap3A_283 {add = true, strides = array<i32>} : memref<32x1024xf32, #tpu.memory_space<vmem>>, vector<1x16xf32>,
        %get3A_284 = arith.index_cast %scan3A_33 : i32 to index
        %get3A_285 = arith.constant 448 : index
        %get3A_286 = tpu.vector_load %arg6[%get3A_284, %get3A_285] {strides = array<i32>} : memref<32x1024xf32, #tpu.memory_space<vmem>>, vector<1x16xf32>,
        %get3A_287 = vector.shape_cast %get3A_286 : vector<1x16xf32> to vector<16xf32>
        %swap3A_288 = arith.index_cast %scan3A_33 : i32 to index
        %swap3A_289 = arith.constant 448 : index
        %swap3A_290 = tpu.vector_load %arg5[%swap3A_288, %swap3A_289] {strides = array<i32>} : memref<32x1024xf32, #tpu.memory_space<vmem>>, vector<1x16xf32>,
        %swap3A_291 = vector.shape_cast %swap3A_290 : vector<1x16xf32> to vector<16xf32>
        %swap3A_292 = vector.shape_cast %get3A_287 : vector<16xf32> to vector<1x16xf32>
        tpu.vector_store %arg5[%swap3A_288, %swap3A_289], %swap3A_292 {add = true, strides = array<i32>} : memref<32x1024xf32, #tpu.memory_space<vmem>>, vector<1x16xf32>,
        %get3A_293 = arith.index_cast %scan3A_33 : i32 to index
        %get3A_294 = arith.constant 464 : index
        %get3A_295 = tpu.vector_load %arg6[%get3A_293, %get3A_294] {strides = array<i32>} : memref<32x1024xf32, #tpu.memory_space<vmem>>, vector<1x16xf32>,
        %get3A_296 = vector.shape_cast %get3A_295 : vector<1x16xf32> to vector<16xf32>
        %swap3A_297 = arith.index_cast %scan3A_33 : i32 to index
        %swap3A_298 = arith.constant 464 : index
        %swap3A_299 = tpu.vector_load %arg5[%swap3A_297, %swap3A_298] {strides = array<i32>} : memref<32x1024xf32, #tpu.memory_space<vmem>>, vector<1x16xf32>,
        %swap3A_300 = vector.shape_cast %swap3A_299 : vector<1x16xf32> to vector<16xf32>
        %swap3A_301 = vector.shape_cast %get3A_296 : vector<16xf32> to vector<1x16xf32>
        tpu.vector_store %arg5[%swap3A_297, %swap3A_298], %swap3A_301 {add = true, strides = array<i32>} : memref<32x1024xf32, #tpu.memory_space<vmem>>, vector<1x16xf32>,
        %get3A_302 = arith.index_cast %scan3A_33 : i32 to index
        %get3A_303 = arith.constant 480 : index
        %get3A_304 = tpu.vector_load %arg6[%get3A_302, %get3A_303] {strides = array<i32>} : memref<32x1024xf32, #tpu.memory_space<vmem>>, vector<1x16xf32>,
        %get3A_305 = vector.shape_cast %get3A_304 : vector<1x16xf32> to vector<16xf32>
        %swap3A_306 = arith.index_cast %scan3A_33 : i32 to index
        %swap3A_307 = arith.constant 480 : index
        %swap3A_308 = tpu.vector_load %arg5[%swap3A_306, %swap3A_307] {strides = array<i32>} : memref<32x1024xf32, #tpu.memory_space<vmem>>, vector<1x16xf32>,
        %swap3A_309 = vector.shape_cast %swap3A_308 : vector<1x16xf32> to vector<16xf32>
        %swap3A_310 = vector.shape_cast %get3A_305 : vector<16xf32> to vector<1x16xf32>
        tpu.vector_store %arg5[%swap3A_306, %swap3A_307], %swap3A_310 {add = true, strides = array<i32>} : memref<32x1024xf32, #tpu.memory_space<vmem>>, vector<1x16xf32>,
        %get3A_311 = arith.index_cast %scan3A_33 : i32 to index
        %get3A_312 = arith.constant 496 : index
        %get3A_313 = tpu.vector_load %arg6[%get3A_311, %get3A_312] {strides = array<i32>} : memref<32x1024xf32, #tpu.memory_space<vmem>>, vector<1x16xf32>,
        %get3A_314 = vector.shape_cast %get3A_313 : vector<1x16xf32> to vector<16xf32>
        %swap3A_315 = arith.index_cast %scan3A_33 : i32 to index
        %swap3A_316 = arith.constant 496 : index
        %swap3A_317 = tpu.vector_load %arg5[%swap3A_315, %swap3A_316] {strides = array<i32>} : memref<32x1024xf32, #tpu.memory_space<vmem>>, vector<1x16xf32>,
        %swap3A_318 = vector.shape_cast %swap3A_317 : vector<1x16xf32> to vector<16xf32>
        %swap3A_319 = vector.shape_cast %get3A_314 : vector<16xf32> to vector<1x16xf32>
        tpu.vector_store %arg5[%swap3A_315, %swap3A_316], %swap3A_319 {add = true, strides = array<i32>} : memref<32x1024xf32, #tpu.memory_space<vmem>>, vector<1x16xf32>,
        %get3A_320 = arith.index_cast %scan3A_33 : i32 to index
        %get3A_321 = arith.constant 512 : index
        %get3A_322 = tpu.vector_load %arg6[%get3A_320, %get3A_321] {strides = array<i32>} : memref<32x1024xf32, #tpu.memory_space<vmem>>, vector<1x16xf32>,
        %get3A_323 = vector.shape_cast %get3A_322 : vector<1x16xf32> to vector<16xf32>
        %swap3A_324 = arith.index_cast %scan3A_33 : i32 to index
        %swap3A_325 = arith.constant 512 : index
        %swap3A_326 = tpu.vector_load %arg5[%swap3A_324, %swap3A_325] {strides = array<i32>} : memref<32x1024xf32, #tpu.memory_space<vmem>>, vector<1x16xf32>,
        %swap3A_327 = vector.shape_cast %swap3A_326 : vector<1x16xf32> to vector<16xf32>
        %swap3A_328 = vector.shape_cast %get3A_323 : vector<16xf32> to vector<1x16xf32>
        tpu.vector_store %arg5[%swap3A_324, %swap3A_325], %swap3A_328 {add = true, strides = array<i32>} : memref<32x1024xf32, #tpu.memory_space<vmem>>, vector<1x16xf32>,
        %get3A_329 = arith.index_cast %scan3A_33 : i32 to index
        %get3A_330 = arith.constant 528 : index
        %get3A_331 = tpu.vector_load %arg6[%get3A_329, %get3A_330] {strides = array<i32>} : memref<32x1024xf32, #tpu.memory_space<vmem>>, vector<1x16xf32>,
        %get3A_332 = vector.shape_cast %get3A_331 : vector<1x16xf32> to vector<16xf32>
        %swap3A_333 = arith.index_cast %scan3A_33 : i32 to index
        %swap3A_334 = arith.constant 528 : index
        %swap3A_335 = tpu.vector_load %arg5[%swap3A_333, %swap3A_334] {strides = array<i32>} : memref<32x1024xf32, #tpu.memory_space<vmem>>, vector<1x16xf32>,
        %swap3A_336 = vector.shape_cast %swap3A_335 : vector<1x16xf32> to vector<16xf32>
        %swap3A_337 = vector.shape_cast %get3A_332 : vector<16xf32> to vector<1x16xf32>
        tpu.vector_store %arg5[%swap3A_333, %swap3A_334], %swap3A_337 {add = true, strides = array<i32>} : memref<32x1024xf32, #tpu.memory_space<vmem>>, vector<1x16xf32>,
        %get3A_338 = arith.index_cast %scan3A_33 : i32 to index
        %get3A_339 = arith.constant 544 : index
        %get3A_340 = tpu.vector_load %arg6[%get3A_338, %get3A_339] {strides = array<i32>} : memref<32x1024xf32, #tpu.memory_space<vmem>>, vector<1x16xf32>,
        %get3A_341 = vector.shape_cast %get3A_340 : vector<1x16xf32> to vector<16xf32>
        %swap3A_342 = arith.index_cast %scan3A_33 : i32 to index
        %swap3A_343 = arith.constant 544 : index
        %swap3A_344 = tpu.vector_load %arg5[%swap3A_342, %swap3A_343] {strides = array<i32>} : memref<32x1024xf32, #tpu.memory_space<vmem>>, vector<1x16xf32>,
        %swap3A_345 = vector.shape_cast %swap3A_344 : vector<1x16xf32> to vector<16xf32>
        %swap3A_346 = vector.shape_cast %get3A_341 : vector<16xf32> to vector<1x16xf32>
        tpu.vector_store %arg5[%swap3A_342, %swap3A_343], %swap3A_346 {add = true, strides = array<i32>} : memref<32x1024xf32, #tpu.memory_space<vmem>>, vector<1x16xf32>,
        %get3A_347 = arith.index_cast %scan3A_33 : i32 to index
        %get3A_348 = arith.constant 560 : index
        %get3A_349 = tpu.vector_load %arg6[%get3A_347, %get3A_348] {strides = array<i32>} : memref<32x1024xf32, #tpu.memory_space<vmem>>, vector<1x16xf32>,
        %get3A_350 = vector.shape_cast %get3A_349 : vector<1x16xf32> to vector<16xf32>
        %swap3A_351 = arith.index_cast %scan3A_33 : i32 to index
        %swap3A_352 = arith.constant 560 : index
        %swap3A_353 = tpu.vector_load %arg5[%swap3A_351, %swap3A_352] {strides = array<i32>} : memref<32x1024xf32, #tpu.memory_space<vmem>>, vector<1x16xf32>,
        %swap3A_354 = vector.shape_cast %swap3A_353 : vector<1x16xf32> to vector<16xf32>
        %swap3A_355 = vector.shape_cast %get3A_350 : vector<16xf32> to vector<1x16xf32>
        tpu.vector_store %arg5[%swap3A_351, %swap3A_352], %swap3A_355 {add = true, strides = array<i32>} : memref<32x1024xf32, #tpu.memory_space<vmem>>, vector<1x16xf32>,
        %get3A_356 = arith.index_cast %scan3A_33 : i32 to index
        %get3A_357 = arith.constant 576 : index
        %get3A_358 = tpu.vector_load %arg6[%get3A_356, %get3A_357] {strides = array<i32>} : memref<32x1024xf32, #tpu.memory_space<vmem>>, vector<1x16xf32>,
        %get3A_359 = vector.shape_cast %get3A_358 : vector<1x16xf32> to vector<16xf32>
        %swap3A_360 = arith.index_cast %scan3A_33 : i32 to index
        %swap3A_361 = arith.constant 576 : index
        %swap3A_362 = tpu.vector_load %arg5[%swap3A_360, %swap3A_361] {strides = array<i32>} : memref<32x1024xf32, #tpu.memory_space<vmem>>, vector<1x16xf32>,
        %swap3A_363 = vector.shape_cast %swap3A_362 : vector<1x16xf32> to vector<16xf32>
        %swap3A_364 = vector.shape_cast %get3A_359 : vector<16xf32> to vector<1x16xf32>
        tpu.vector_store %arg5[%swap3A_360, %swap3A_361], %swap3A_364 {add = true, strides = array<i32>} : memref<32x1024xf32, #tpu.memory_space<vmem>>, vector<1x16xf32>,
        %get3A_365 = arith.index_cast %scan3A_33 : i32 to index
        %get3A_366 = arith.constant 592 : index
        %get3A_367 = tpu.vector_load %arg6[%get3A_365, %get3A_366] {strides = array<i32>} : memref<32x1024xf32, #tpu.memory_space<vmem>>, vector<1x16xf32>,
        %get3A_368 = vector.shape_cast %get3A_367 : vector<1x16xf32> to vector<16xf32>
        %swap3A_369 = arith.index_cast %scan3A_33 : i32 to index
        %swap3A_370 = arith.constant 592 : index
        %swap3A_371 = tpu.vector_load %arg5[%swap3A_369, %swap3A_370] {strides = array<i32>} : memref<32x1024xf32, #tpu.memory_space<vmem>>, vector<1x16xf32>,
        %swap3A_372 = vector.shape_cast %swap3A_371 : vector<1x16xf32> to vector<16xf32>
        %swap3A_373 = vector.shape_cast %get3A_368 : vector<16xf32> to vector<1x16xf32>
        tpu.vector_store %arg5[%swap3A_369, %swap3A_370], %swap3A_373 {add = true, strides = array<i32>} : memref<32x1024xf32, #tpu.memory_space<vmem>>, vector<1x16xf32>,
        %get3A_374 = arith.index_cast %scan3A_33 : i32 to index
        %get3A_375 = arith.constant 608 : index
        %get3A_376 = tpu.vector_load %arg6[%get3A_374, %get3A_375] {strides = array<i32>} : memref<32x1024xf32, #tpu.memory_space<vmem>>, vector<1x16xf32>,
        %get3A_377 = vector.shape_cast %get3A_376 : vector<1x16xf32> to vector<16xf32>
        %swap3A_378 = arith.index_cast %scan3A_33 : i32 to index
        %swap3A_379 = arith.constant 608 : index
        %swap3A_380 = tpu.vector_load %arg5[%swap3A_378, %swap3A_379] {strides = array<i32>} : memref<32x1024xf32, #tpu.memory_space<vmem>>, vector<1x16xf32>,
        %swap3A_381 = vector.shape_cast %swap3A_380 : vector<1x16xf32> to vector<16xf32>
        %swap3A_382 = vector.shape_cast %get3A_377 : vector<16xf32> to vector<1x16xf32>
        tpu.vector_store %arg5[%swap3A_378, %swap3A_379], %swap3A_382 {add = true, strides = array<i32>} : memref<32x1024xf32, #tpu.memory_space<vmem>>, vector<1x16xf32>,
        %get3A_383 = arith.index_cast %scan3A_33 : i32 to index
        %get3A_384 = arith.constant 624 : index
        %get3A_385 = tpu.vector_load %arg6[%get3A_383, %get3A_384] {strides = array<i32>} : memref<32x1024xf32, #tpu.memory_space<vmem>>, vector<1x16xf32>,
        %get3A_386 = vector.shape_cast %get3A_385 : vector<1x16xf32> to vector<16xf32>
        %swap3A_387 = arith.index_cast %scan3A_33 : i32 to index
        %swap3A_388 = arith.constant 624 : index
        %swap3A_389 = tpu.vector_load %arg5[%swap3A_387, %swap3A_388] {strides = array<i32>} : memref<32x1024xf32, #tpu.memory_space<vmem>>, vector<1x16xf32>,
        %swap3A_390 = vector.shape_cast %swap3A_389 : vector<1x16xf32> to vector<16xf32>
        %swap3A_391 = vector.shape_cast %get3A_386 : vector<16xf32> to vector<1x16xf32>
        tpu.vector_store %arg5[%swap3A_387, %swap3A_388], %swap3A_391 {add = true, strides = array<i32>} : memref<32x1024xf32, #tpu.memory_space<vmem>>, vector<1x16xf32>,
        %get3A_392 = arith.index_cast %scan3A_33 : i32 to index
        %get3A_393 = arith.constant 640 : index
        %get3A_394 = tpu.vector_load %arg6[%get3A_392, %get3A_393] {strides = array<i32>} : memref<32x1024xf32, #tpu.memory_space<vmem>>, vector<1x16xf32>,
        %get3A_395 = vector.shape_cast %get3A_394 : vector<1x16xf32> to vector<16xf32>
        %swap3A_396 = arith.index_cast %scan3A_33 : i32 to index
        %swap3A_397 = arith.constant 640 : index
        %swap3A_398 = tpu.vector_load %arg5[%swap3A_396, %swap3A_397] {strides = array<i32>} : memref<32x1024xf32, #tpu.memory_space<vmem>>, vector<1x16xf32>,
        %swap3A_399 = vector.shape_cast %swap3A_398 : vector<1x16xf32> to vector<16xf32>
        %swap3A_400 = vector.shape_cast %get3A_395 : vector<16xf32> to vector<1x16xf32>
        tpu.vector_store %arg5[%swap3A_396, %swap3A_397], %swap3A_400 {add = true, strides = array<i32>} : memref<32x1024xf32, #tpu.memory_space<vmem>>, vector<1x16xf32>,
        %get3A_401 = arith.index_cast %scan3A_33 : i32 to index
        %get3A_402 = arith.constant 656 : index
        %get3A_403 = tpu.vector_load %arg6[%get3A_401, %get3A_402] {strides = array<i32>} : memref<32x1024xf32, #tpu.memory_space<vmem>>, vector<1x16xf32>,
        %get3A_404 = vector.shape_cast %get3A_403 : vector<1x16xf32> to vector<16xf32>
        %swap3A_405 = arith.index_cast %scan3A_33 : i32 to index
        %swap3A_406 = arith.constant 656 : index
        %swap3A_407 = tpu.vector_load %arg5[%swap3A_405, %swap3A_406] {strides = array<i32>} : memref<32x1024xf32, #tpu.memory_space<vmem>>, vector<1x16xf32>,
        %swap3A_408 = vector.shape_cast %swap3A_407 : vector<1x16xf32> to vector<16xf32>
        %swap3A_409 = vector.shape_cast %get3A_404 : vector<16xf32> to vector<1x16xf32>
        tpu.vector_store %arg5[%swap3A_405, %swap3A_406], %swap3A_409 {add = true, strides = array<i32>} : memref<32x1024xf32, #tpu.memory_space<vmem>>, vector<1x16xf32>,
        %get3A_410 = arith.index_cast %scan3A_33 : i32 to index
        %get3A_411 = arith.constant 672 : index
        %get3A_412 = tpu.vector_load %arg6[%get3A_410, %get3A_411] {strides = array<i32>} : memref<32x1024xf32, #tpu.memory_space<vmem>>, vector<1x16xf32>,
        %get3A_413 = vector.shape_cast %get3A_412 : vector<1x16xf32> to vector<16xf32>
        %swap3A_414 = arith.index_cast %scan3A_33 : i32 to index
        %swap3A_415 = arith.constant 672 : index
        %swap3A_416 = tpu.vector_load %arg5[%swap3A_414, %swap3A_415] {strides = array<i32>} : memref<32x1024xf32, #tpu.memory_space<vmem>>, vector<1x16xf32>,
        %swap3A_417 = vector.shape_cast %swap3A_416 : vector<1x16xf32> to vector<16xf32>
        %swap3A_418 = vector.shape_cast %get3A_413 : vector<16xf32> to vector<1x16xf32>
        tpu.vector_store %arg5[%swap3A_414, %swap3A_415], %swap3A_418 {add = true, strides = array<i32>} : memref<32x1024xf32, #tpu.memory_space<vmem>>, vector<1x16xf32>,
        %get3A_419 = arith.index_cast %scan3A_33 : i32 to index
        %get3A_420 = arith.constant 688 : index
        %get3A_421 = tpu.vector_load %arg6[%get3A_419, %get3A_420] {strides = array<i32>} : memref<32x1024xf32, #tpu.memory_space<vmem>>, vector<1x16xf32>,
        %get3A_422 = vector.shape_cast %get3A_421 : vector<1x16xf32> to vector<16xf32>
        %swap3A_423 = arith.index_cast %scan3A_33 : i32 to index
        %swap3A_424 = arith.constant 688 : index
        %swap3A_425 = tpu.vector_load %arg5[%swap3A_423, %swap3A_424] {strides = array<i32>} : memref<32x1024xf32, #tpu.memory_space<vmem>>, vector<1x16xf32>,
        %swap3A_426 = vector.shape_cast %swap3A_425 : vector<1x16xf32> to vector<16xf32>
        %swap3A_427 = vector.shape_cast %get3A_422 : vector<16xf32> to vector<1x16xf32>
        tpu.vector_store %arg5[%swap3A_423, %swap3A_424], %swap3A_427 {add = true, strides = array<i32>} : memref<32x1024xf32, #tpu.memory_space<vmem>>, vector<1x16xf32>,
        %get3A_428 = arith.index_cast %scan3A_33 : i32 to index
        %get3A_429 = arith.constant 704 : index
        %get3A_430 = tpu.vector_load %arg6[%get3A_428, %get3A_429] {strides = array<i32>} : memref<32x1024xf32, #tpu.memory_space<vmem>>, vector<1x16xf32>,
        %get3A_431 = vector.shape_cast %get3A_430 : vector<1x16xf32> to vector<16xf32>
        %swap3A_432 = arith.index_cast %scan3A_33 : i32 to index
        %swap3A_433 = arith.constant 704 : index
        %swap3A_434 = tpu.vector_load %arg5[%swap3A_432, %swap3A_433] {strides = array<i32>} : memref<32x1024xf32, #tpu.memory_space<vmem>>, vector<1x16xf32>,
        %swap3A_435 = vector.shape_cast %swap3A_434 : vector<1x16xf32> to vector<16xf32>
        %swap3A_436 = vector.shape_cast %get3A_431 : vector<16xf32> to vector<1x16xf32>
        tpu.vector_store %arg5[%swap3A_432, %swap3A_433], %swap3A_436 {add = true, strides = array<i32>} : memref<32x1024xf32, #tpu.memory_space<vmem>>, vector<1x16xf32>,
        %get3A_437 = arith.index_cast %scan3A_33 : i32 to index
        %get3A_438 = arith.constant 720 : index
        %get3A_439 = tpu.vector_load %arg6[%get3A_437, %get3A_438] {strides = array<i32>} : memref<32x1024xf32, #tpu.memory_space<vmem>>, vector<1x16xf32>,
        %get3A_440 = vector.shape_cast %get3A_439 : vector<1x16xf32> to vector<16xf32>
        %swap3A_441 = arith.index_cast %scan3A_33 : i32 to index
        %swap3A_442 = arith.constant 720 : index
        %swap3A_443 = tpu.vector_load %arg5[%swap3A_441, %swap3A_442] {strides = array<i32>} : memref<32x1024xf32, #tpu.memory_space<vmem>>, vector<1x16xf32>,
        %swap3A_444 = vector.shape_cast %swap3A_443 : vector<1x16xf32> to vector<16xf32>
        %swap3A_445 = vector.shape_cast %get3A_440 : vector<16xf32> to vector<1x16xf32>
        tpu.vector_store %arg5[%swap3A_441, %swap3A_442], %swap3A_445 {add = true, strides = array<i32>} : memref<32x1024xf32, #tpu.memory_space<vmem>>, vector<1x16xf32>,
        %get3A_446 = arith.index_cast %scan3A_33 : i32 to index
        %get3A_447 = arith.constant 736 : index
        %get3A_448 = tpu.vector_load %arg6[%get3A_446, %get3A_447] {strides = array<i32>} : memref<32x1024xf32, #tpu.memory_space<vmem>>, vector<1x16xf32>,
        %get3A_449 = vector.shape_cast %get3A_448 : vector<1x16xf32> to vector<16xf32>
        %swap3A_450 = arith.index_cast %scan3A_33 : i32 to index
        %swap3A_451 = arith.constant 736 : index
        %swap3A_452 = tpu.vector_load %arg5[%swap3A_450, %swap3A_451] {strides = array<i32>} : memref<32x1024xf32, #tpu.memory_space<vmem>>, vector<1x16xf32>,
        %swap3A_453 = vector.shape_cast %swap3A_452 : vector<1x16xf32> to vector<16xf32>
        %swap3A_454 = vector.shape_cast %get3A_449 : vector<16xf32> to vector<1x16xf32>
        tpu.vector_store %arg5[%swap3A_450, %swap3A_451], %swap3A_454 {add = true, strides = array<i32>} : memref<32x1024xf32, #tpu.memory_space<vmem>>, vector<1x16xf32>,
        %get3A_455 = arith.index_cast %scan3A_33 : i32 to index
        %get3A_456 = arith.constant 752 : index
        %get3A_457 = tpu.vector_load %arg6[%get3A_455, %get3A_456] {strides = array<i32>} : memref<32x1024xf32, #tpu.memory_space<vmem>>, vector<1x16xf32>,
        %get3A_458 = vector.shape_cast %get3A_457 : vector<1x16xf32> to vector<16xf32>
        %swap3A_459 = arith.index_cast %scan3A_33 : i32 to index
        %swap3A_460 = arith.constant 752 : index
        %swap3A_461 = tpu.vector_load %arg5[%swap3A_459, %swap3A_460] {strides = array<i32>} : memref<32x1024xf32, #tpu.memory_space<vmem>>, vector<1x16xf32>,
        %swap3A_462 = vector.shape_cast %swap3A_461 : vector<1x16xf32> to vector<16xf32>
        %swap3A_463 = vector.shape_cast %get3A_458 : vector<16xf32> to vector<1x16xf32>
        tpu.vector_store %arg5[%swap3A_459, %swap3A_460], %swap3A_463 {add = true, strides = array<i32>} : memref<32x1024xf32, #tpu.memory_space<vmem>>, vector<1x16xf32>,
        %get3A_464 = arith.index_cast %scan3A_33 : i32 to index
        %get3A_465 = arith.constant 768 : index
        %get3A_466 = tpu.vector_load %arg6[%get3A_464, %get3A_465] {strides = array<i32>} : memref<32x1024xf32, #tpu.memory_space<vmem>>, vector<1x16xf32>,
        %get3A_467 = vector.shape_cast %get3A_466 : vector<1x16xf32> to vector<16xf32>
        %swap3A_468 = arith.index_cast %scan3A_33 : i32 to index
        %swap3A_469 = arith.constant 768 : index
        %swap3A_470 = tpu.vector_load %arg5[%swap3A_468, %swap3A_469] {strides = array<i32>} : memref<32x1024xf32, #tpu.memory_space<vmem>>, vector<1x16xf32>,
        %swap3A_471 = vector.shape_cast %swap3A_470 : vector<1x16xf32> to vector<16xf32>
        %swap3A_472 = vector.shape_cast %get3A_467 : vector<16xf32> to vector<1x16xf32>
        tpu.vector_store %arg5[%swap3A_468, %swap3A_469], %swap3A_472 {add = true, strides = array<i32>} : memref<32x1024xf32, #tpu.memory_space<vmem>>, vector<1x16xf32>,
        %get3A_473 = arith.index_cast %scan3A_33 : i32 to index
        %get3A_474 = arith.constant 784 : index
        %get3A_475 = tpu.vector_load %arg6[%get3A_473, %get3A_474] {strides = array<i32>} : memref<32x1024xf32, #tpu.memory_space<vmem>>, vector<1x16xf32>,
        %get3A_476 = vector.shape_cast %get3A_475 : vector<1x16xf32> to vector<16xf32>
        %swap3A_477 = arith.index_cast %scan3A_33 : i32 to index
        %swap3A_478 = arith.constant 784 : index
        %swap3A_479 = tpu.vector_load %arg5[%swap3A_477, %swap3A_478] {strides = array<i32>} : memref<32x1024xf32, #tpu.memory_space<vmem>>, vector<1x16xf32>,
        %swap3A_480 = vector.shape_cast %swap3A_479 : vector<1x16xf32> to vector<16xf32>
        %swap3A_481 = vector.shape_cast %get3A_476 : vector<16xf32> to vector<1x16xf32>
        tpu.vector_store %arg5[%swap3A_477, %swap3A_478], %swap3A_481 {add = true, strides = array<i32>} : memref<32x1024xf32, #tpu.memory_space<vmem>>, vector<1x16xf32>,
        %get3A_482 = arith.index_cast %scan3A_33 : i32 to index
        %get3A_483 = arith.constant 800 : index
        %get3A_484 = tpu.vector_load %arg6[%get3A_482, %get3A_483] {strides = array<i32>} : memref<32x1024xf32, #tpu.memory_space<vmem>>, vector<1x16xf32>,
        %get3A_485 = vector.shape_cast %get3A_484 : vector<1x16xf32> to vector<16xf32>
        %swap3A_486 = arith.index_cast %scan3A_33 : i32 to index
        %swap3A_487 = arith.constant 800 : index
        %swap3A_488 = tpu.vector_load %arg5[%swap3A_486, %swap3A_487] {strides = array<i32>} : memref<32x1024xf32, #tpu.memory_space<vmem>>, vector<1x16xf32>,
        %swap3A_489 = vector.shape_cast %swap3A_488 : vector<1x16xf32> to vector<16xf32>
        %swap3A_490 = vector.shape_cast %get3A_485 : vector<16xf32> to vector<1x16xf32>
        tpu.vector_store %arg5[%swap3A_486, %swap3A_487], %swap3A_490 {add = true, strides = array<i32>} : memref<32x1024xf32, #tpu.memory_space<vmem>>, vector<1x16xf32>,
        %get3A_491 = arith.index_cast %scan3A_33 : i32 to index
        %get3A_492 = arith.constant 816 : index
        %get3A_493 = tpu.vector_load %arg6[%get3A_491, %get3A_492] {strides = array<i32>} : memref<32x1024xf32, #tpu.memory_space<vmem>>, vector<1x16xf32>,
        %get3A_494 = vector.shape_cast %get3A_493 : vector<1x16xf32> to vector<16xf32>
        %swap3A_495 = arith.index_cast %scan3A_33 : i32 to index
        %swap3A_496 = arith.constant 816 : index
        %swap3A_497 = tpu.vector_load %arg5[%swap3A_495, %swap3A_496] {strides = array<i32>} : memref<32x1024xf32, #tpu.memory_space<vmem>>, vector<1x16xf32>,
        %swap3A_498 = vector.shape_cast %swap3A_497 : vector<1x16xf32> to vector<16xf32>
        %swap3A_499 = vector.shape_cast %get3A_494 : vector<16xf32> to vector<1x16xf32>
        tpu.vector_store %arg5[%swap3A_495, %swap3A_496], %swap3A_499 {add = true, strides = array<i32>} : memref<32x1024xf32, #tpu.memory_space<vmem>>, vector<1x16xf32>,
        %get3A_500 = arith.index_cast %scan3A_33 : i32 to index
        %get3A_501 = arith.constant 832 : index
        %get3A_502 = tpu.vector_load %arg6[%get3A_500, %get3A_501] {strides = array<i32>} : memref<32x1024xf32, #tpu.memory_space<vmem>>, vector<1x16xf32>,
        %get3A_503 = vector.shape_cast %get3A_502 : vector<1x16xf32> to vector<16xf32>
        %swap3A_504 = arith.index_cast %scan3A_33 : i32 to index
        %swap3A_505 = arith.constant 832 : index
        %swap3A_506 = tpu.vector_load %arg5[%swap3A_504, %swap3A_505] {strides = array<i32>} : memref<32x1024xf32, #tpu.memory_space<vmem>>, vector<1x16xf32>,
        %swap3A_507 = vector.shape_cast %swap3A_506 : vector<1x16xf32> to vector<16xf32>
        %swap3A_508 = vector.shape_cast %get3A_503 : vector<16xf32> to vector<1x16xf32>
        tpu.vector_store %arg5[%swap3A_504, %swap3A_505], %swap3A_508 {add = true, strides = array<i32>} : memref<32x1024xf32, #tpu.memory_space<vmem>>, vector<1x16xf32>,
        %get3A_509 = arith.index_cast %scan3A_33 : i32 to index
        %get3A_510 = arith.constant 848 : index
        %get3A_511 = tpu.vector_load %arg6[%get3A_509, %get3A_510] {strides = array<i32>} : memref<32x1024xf32, #tpu.memory_space<vmem>>, vector<1x16xf32>,
        %get3A_512 = vector.shape_cast %get3A_511 : vector<1x16xf32> to vector<16xf32>
        %swap3A_513 = arith.index_cast %scan3A_33 : i32 to index
        %swap3A_514 = arith.constant 848 : index
        %swap3A_515 = tpu.vector_load %arg5[%swap3A_513, %swap3A_514] {strides = array<i32>} : memref<32x1024xf32, #tpu.memory_space<vmem>>, vector<1x16xf32>,
        %swap3A_516 = vector.shape_cast %swap3A_515 : vector<1x16xf32> to vector<16xf32>
        %swap3A_517 = vector.shape_cast %get3A_512 : vector<16xf32> to vector<1x16xf32>
        tpu.vector_store %arg5[%swap3A_513, %swap3A_514], %swap3A_517 {add = true, strides = array<i32>} : memref<32x1024xf32, #tpu.memory_space<vmem>>, vector<1x16xf32>,
        %get3A_518 = arith.index_cast %scan3A_33 : i32 to index
        %get3A_519 = arith.constant 864 : index
        %get3A_520 = tpu.vector_load %arg6[%get3A_518, %get3A_519] {strides = array<i32>} : memref<32x1024xf32, #tpu.memory_space<vmem>>, vector<1x16xf32>,
        %get3A_521 = vector.shape_cast %get3A_520 : vector<1x16xf32> to vector<16xf32>
        %swap3A_522 = arith.index_cast %scan3A_33 : i32 to index
        %swap3A_523 = arith.constant 864 : index
        %swap3A_524 = tpu.vector_load %arg5[%swap3A_522, %swap3A_523] {strides = array<i32>} : memref<32x1024xf32, #tpu.memory_space<vmem>>, vector<1x16xf32>,
        %swap3A_525 = vector.shape_cast %swap3A_524 : vector<1x16xf32> to vector<16xf32>
        %swap3A_526 = vector.shape_cast %get3A_521 : vector<16xf32> to vector<1x16xf32>
        tpu.vector_store %arg5[%swap3A_522, %swap3A_523], %swap3A_526 {add = true, strides = array<i32>} : memref<32x1024xf32, #tpu.memory_space<vmem>>, vector<1x16xf32>,
        %get3A_527 = arith.index_cast %scan3A_33 : i32 to index
        %get3A_528 = arith.constant 880 : index
        %get3A_529 = tpu.vector_load %arg6[%get3A_527, %get3A_528] {strides = array<i32>} : memref<32x1024xf32, #tpu.memory_space<vmem>>, vector<1x16xf32>,
        %get3A_530 = vector.shape_cast %get3A_529 : vector<1x16xf32> to vector<16xf32>
        %swap3A_531 = arith.index_cast %scan3A_33 : i32 to index
        %swap3A_532 = arith.constant 880 : index
        %swap3A_533 = tpu.vector_load %arg5[%swap3A_531, %swap3A_532] {strides = array<i32>} : memref<32x1024xf32, #tpu.memory_space<vmem>>, vector<1x16xf32>,
        %swap3A_534 = vector.shape_cast %swap3A_533 : vector<1x16xf32> to vector<16xf32>
        %swap3A_535 = vector.shape_cast %get3A_530 : vector<16xf32> to vector<1x16xf32>
        tpu.vector_store %arg5[%swap3A_531, %swap3A_532], %swap3A_535 {add = true, strides = array<i32>} : memref<32x1024xf32, #tpu.memory_space<vmem>>, vector<1x16xf32>,
        %get3A_536 = arith.index_cast %scan3A_33 : i32 to index
        %get3A_537 = arith.constant 896 : index
        %get3A_538 = tpu.vector_load %arg6[%get3A_536, %get3A_537] {strides = array<i32>} : memref<32x1024xf32, #tpu.memory_space<vmem>>, vector<1x16xf32>,
        %get3A_539 = vector.shape_cast %get3A_538 : vector<1x16xf32> to vector<16xf32>
        %swap3A_540 = arith.index_cast %scan3A_33 : i32 to index
        %swap3A_541 = arith.constant 896 : index
        %swap3A_542 = tpu.vector_load %arg5[%swap3A_540, %swap3A_541] {strides = array<i32>} : memref<32x1024xf32, #tpu.memory_space<vmem>>, vector<1x16xf32>,
        %swap3A_543 = vector.shape_cast %swap3A_542 : vector<1x16xf32> to vector<16xf32>
        %swap3A_544 = vector.shape_cast %get3A_539 : vector<16xf32> to vector<1x16xf32>
        tpu.vector_store %arg5[%swap3A_540, %swap3A_541], %swap3A_544 {add = true, strides = array<i32>} : memref<32x1024xf32, #tpu.memory_space<vmem>>, vector<1x16xf32>,
        %get3A_545 = arith.index_cast %scan3A_33 : i32 to index
        %get3A_546 = arith.constant 912 : index
        %get3A_547 = tpu.vector_load %arg6[%get3A_545, %get3A_546] {strides = array<i32>} : memref<32x1024xf32, #tpu.memory_space<vmem>>, vector<1x16xf32>,
        %get3A_548 = vector.shape_cast %get3A_547 : vector<1x16xf32> to vector<16xf32>
        %swap3A_549 = arith.index_cast %scan3A_33 : i32 to index
        %swap3A_550 = arith.constant 912 : index
        %swap3A_551 = tpu.vector_load %arg5[%swap3A_549, %swap3A_550] {strides = array<i32>} : memref<32x1024xf32, #tpu.memory_space<vmem>>, vector<1x16xf32>,
        %swap3A_552 = vector.shape_cast %swap3A_551 : vector<1x16xf32> to vector<16xf32>
        %swap3A_553 = vector.shape_cast %get3A_548 : vector<16xf32> to vector<1x16xf32>
        tpu.vector_store %arg5[%swap3A_549, %swap3A_550], %swap3A_553 {add = true, strides = array<i32>} : memref<32x1024xf32, #tpu.memory_space<vmem>>, vector<1x16xf32>,
        %get3A_554 = arith.index_cast %scan3A_33 : i32 to index
        %get3A_555 = arith.constant 928 : index
        %get3A_556 = tpu.vector_load %arg6[%get3A_554, %get3A_555] {strides = array<i32>} : memref<32x1024xf32, #tpu.memory_space<vmem>>, vector<1x16xf32>,
        %get3A_557 = vector.shape_cast %get3A_556 : vector<1x16xf32> to vector<16xf32>
        %swap3A_558 = arith.index_cast %scan3A_33 : i32 to index
        %swap3A_559 = arith.constant 928 : index
        %swap3A_560 = tpu.vector_load %arg5[%swap3A_558, %swap3A_559] {strides = array<i32>} : memref<32x1024xf32, #tpu.memory_space<vmem>>, vector<1x16xf32>,
        %swap3A_561 = vector.shape_cast %swap3A_560 : vector<1x16xf32> to vector<16xf32>
        %swap3A_562 = vector.shape_cast %get3A_557 : vector<16xf32> to vector<1x16xf32>
        tpu.vector_store %arg5[%swap3A_558, %swap3A_559], %swap3A_562 {add = true, strides = array<i32>} : memref<32x1024xf32, #tpu.memory_space<vmem>>, vector<1x16xf32>,
        %get3A_563 = arith.index_cast %scan3A_33 : i32 to index
        %get3A_564 = arith.constant 944 : index
        %get3A_565 = tpu.vector_load %arg6[%get3A_563, %get3A_564] {strides = array<i32>} : memref<32x1024xf32, #tpu.memory_space<vmem>>, vector<1x16xf32>,
        %get3A_566 = vector.shape_cast %get3A_565 : vector<1x16xf32> to vector<16xf32>
        %swap3A_567 = arith.index_cast %scan3A_33 : i32 to index
        %swap3A_568 = arith.constant 944 : index
        %swap3A_569 = tpu.vector_load %arg5[%swap3A_567, %swap3A_568] {strides = array<i32>} : memref<32x1024xf32, #tpu.memory_space<vmem>>, vector<1x16xf32>,
        %swap3A_570 = vector.shape_cast %swap3A_569 : vector<1x16xf32> to vector<16xf32>
        %swap3A_571 = vector.shape_cast %get3A_566 : vector<16xf32> to vector<1x16xf32>
        tpu.vector_store %arg5[%swap3A_567, %swap3A_568], %swap3A_571 {add = true, strides = array<i32>} : memref<32x1024xf32, #tpu.memory_space<vmem>>, vector<1x16xf32>,
        %get3A_572 = arith.index_cast %scan3A_33 : i32 to index
        %get3A_573 = arith.constant 960 : index
        %get3A_574 = tpu.vector_load %arg6[%get3A_572, %get3A_573] {strides = array<i32>} : memref<32x1024xf32, #tpu.memory_space<vmem>>, vector<1x16xf32>,
        %get3A_575 = vector.shape_cast %get3A_574 : vector<1x16xf32> to vector<16xf32>
        %swap3A_576 = arith.index_cast %scan3A_33 : i32 to index
        %swap3A_577 = arith.constant 960 : index
        %swap3A_578 = tpu.vector_load %arg5[%swap3A_576, %swap3A_577] {strides = array<i32>} : memref<32x1024xf32, #tpu.memory_space<vmem>>, vector<1x16xf32>,
        %swap3A_579 = vector.shape_cast %swap3A_578 : vector<1x16xf32> to vector<16xf32>
        %swap3A_580 = vector.shape_cast %get3A_575 : vector<16xf32> to vector<1x16xf32>
        tpu.vector_store %arg5[%swap3A_576, %swap3A_577], %swap3A_580 {add = true, strides = array<i32>} : memref<32x1024xf32, #tpu.memory_space<vmem>>, vector<1x16xf32>,
        %get3A_581 = arith.index_cast %scan3A_33 : i32 to index
        %get3A_582 = arith.constant 976 : index
        %get3A_583 = tpu.vector_load %arg6[%get3A_581, %get3A_582] {strides = array<i32>} : memref<32x1024xf32, #tpu.memory_space<vmem>>, vector<1x16xf32>,
        %get3A_584 = vector.shape_cast %get3A_583 : vector<1x16xf32> to vector<16xf32>
        %swap3A_585 = arith.index_cast %scan3A_33 : i32 to index
        %swap3A_586 = arith.constant 976 : index
        %swap3A_587 = tpu.vector_load %arg5[%swap3A_585, %swap3A_586] {strides = array<i32>} : memref<32x1024xf32, #tpu.memory_space<vmem>>, vector<1x16xf32>,
        %swap3A_588 = vector.shape_cast %swap3A_587 : vector<1x16xf32> to vector<16xf32>
        %swap3A_589 = vector.shape_cast %get3A_584 : vector<16xf32> to vector<1x16xf32>
        tpu.vector_store %arg5[%swap3A_585, %swap3A_586], %swap3A_589 {add = true, strides = array<i32>} : memref<32x1024xf32, #tpu.memory_space<vmem>>, vector<1x16xf32>,
        %get3A_590 = arith.index_cast %scan3A_33 : i32 to index
        %get3A_591 = arith.constant 992 : index
        %get3A_592 = tpu.vector_load %arg6[%get3A_590, %get3A_591] {strides = array<i32>} : memref<32x1024xf32, #tpu.memory_space<vmem>>, vector<1x16xf32>,
        %get3A_593 = vector.shape_cast %get3A_592 : vector<1x16xf32> to vector<16xf32>
        %swap3A_594 = arith.index_cast %scan3A_33 : i32 to index
        %swap3A_595 = arith.constant 992 : index
        %swap3A_596 = tpu.vector_load %arg5[%swap3A_594, %swap3A_595] {strides = array<i32>} : memref<32x1024xf32, #tpu.memory_space<vmem>>, vector<1x16xf32>,
        %swap3A_597 = vector.shape_cast %swap3A_596 : vector<1x16xf32> to vector<16xf32>
        %swap3A_598 = vector.shape_cast %get3A_593 : vector<16xf32> to vector<1x16xf32>
        tpu.vector_store %arg5[%swap3A_594, %swap3A_595], %swap3A_598 {add = true, strides = array<i32>} : memref<32x1024xf32, #tpu.memory_space<vmem>>, vector<1x16xf32>,
        %get3A_599 = arith.index_cast %scan3A_33 : i32 to index
        %get3A_600 = arith.constant 1008 : index
        %get3A_601 = tpu.vector_load %arg6[%get3A_599, %get3A_600] {strides = array<i32>} : memref<32x1024xf32, #tpu.memory_space<vmem>>, vector<1x16xf32>,
        %get3A_602 = vector.shape_cast %get3A_601 : vector<1x16xf32> to vector<16xf32>
        %swap3A_603 = arith.index_cast %scan3A_33 : i32 to index
        %swap3A_604 = arith.constant 1008 : index
        %swap3A_605 = tpu.vector_load %arg5[%swap3A_603, %swap3A_604] {strides = array<i32>} : memref<32x1024xf32, #tpu.memory_space<vmem>>, vector<1x16xf32>,
        %swap3A_606 = vector.shape_cast %swap3A_605 : vector<1x16xf32> to vector<16xf32>
        %swap3A_607 = vector.shape_cast %get3A_602 : vector<16xf32> to vector<1x16xf32>
        tpu.vector_store %arg5[%swap3A_603, %swap3A_604], %swap3A_607 {add = true, strides = array<i32>} : memref<32x1024xf32, #tpu.memory_space<vmem>>, vector<1x16xf32>,
      }
      %scan3A_32 = arith.constant 32 : i32
      "tpu.region"() ({
        %run_scoped3A = tpu.sem_alloc : memref<!tpu.dma_semaphore, #tpu.memory_space<semaphore_mem>>
        %dma_start3A_33 = arith.constant 0 : i32
        %dma_start3A_34 = tpu.memref_slice %arg4[%add3A_11, %dma_start3A_33] : memref<32768x1024xf32, #tpu.memory_space<hbm>> -> memref<32x1024xf32, #tpu.memory_space<hbm>>
        %dma_start3A_35 = arith.constant 0 : i32
        %dma_start3A_36 = tpu.memref_slice %arg4[%add3A_11, %dma_start3A_35] : memref<32768x1024xf32, #tpu.memory_space<hbm>> -> memref<32x1024xf32, #tpu.memory_space<hbm>>
        tpu.enqueue_dma source(%arg5 : memref<32x1024xf32, #tpu.memory_space<vmem>>) target(%dma_start3A_36 : memref<32x1024xf32, #tpu.memory_space<hbm>>) target_semaphore(%run_scoped3A : memref<!tpu.dma_semaphore, #tpu.memory_space<semaphore_mem>>)
        %dma_wait3A_37 = arith.constant 0 : i32
        %dma_wait3A_38 = tpu.memref_slice %arg4[%add3A_11, %dma_wait3A_37] : memref<32768x1024xf32, #tpu.memory_space<hbm>> -> memref<32x1024xf32, #tpu.memory_space<hbm>>
        %dma_wait3A_39 = arith.constant 0 : i32
        %dma_wait3A_40 = tpu.memref_slice %arg4[%add3A_11, %dma_wait3A_39] : memref<32768x1024xf32, #tpu.memory_space<hbm>> -> memref<32x1024xf32, #tpu.memory_space<hbm>>
        tpu.wait_dma2 semaphore(%run_scoped3A : memref<!tpu.dma_semaphore, #tpu.memory_space<semaphore_mem>>) src(%arg5 : memref<32x1024xf32, #tpu.memory_space<vmem>>) dst(%dma_wait3A_40 : memref<32x1024xf32, #tpu.memory_space<hbm>>)
        tpu.yield
      }) : () -> ()
    }
    %scan3A_7 = arith.constant 32 : i32
    return
  }
}

</mosaic_0001>

<sc_bundles>
// kernel: kernel.3.cloned.1.call-start
scs
__scs_entry_jumppad:
0x0: {  	(pc) =	sbr.rel $0x88, $3  }
0x1: {  	(tag) =	ssettag $0x0;
	lr =	simm.s32 $0x1  }
0x2: {  	[smem:$0x3F9F] =	sst lr;
	_ =	strace $0xD0000000  }
0x3: {  	_ = 	snop  }
0x4: {  	_ = 	snop  }
0x5: {  	_ = 	snop  }
0x6: {  	_ = 	snop  }
0x7: {  	_ = 	snop  }
__scs_overlays_trampoline_lowered:
0x8: {  	[smem:$0x3FAE] =	sst s0  }
0x9: {  	[smem:$0x3FAF] =	sst s1  }
0xa: {  	[smem:$0x3FB0] =	sst s2  }
0xb: {  	[smem:$0x3FB1] =	sst s3  }
0xc: {  	[smem:$0x3FB2] =	sst s4  }
0xd: {  	[smem:$0x3FB3] =	sst s5  }
0xe: {  	[smem:$0x3FB4] =	sst s6  }
0xf: {  	[smem:$0x3FB5] =	sst s7  }
0x10: {  	[smem:$0x3FB6] =	sst s8  }
0x11: {  	[smem:$0x3FB7] =	sst s9;
	s0 =	simm.s32 @!p0 $0x0  }
0x12: {  	s1 =	sld [smem:$0x3F9D];
	s0 =	simm.s32 @p0 $0x1  }
0x13: {  	[smem:$0x3FB8] =	sst s0;
	s0 =	simm.s32 @!p1 $0x0  }
0x14: {  	s2 =	sld [smem:$0x3F9C];
	s0 =	simm.s32 @p1 $0x1  }
0x15: {  	[smem:$0x3FB9] =	sst s0;
	s0 =	simm.s32 @!p2 $0x0  }
0x16: {  	s3 =	sld [smem:$0x3FDB];
	s0 =	simm.s32 @p2 $0x1  }
0x17: {  	s4 =	simm.s32 $0x1BF5;
	[smem:$0x3FBB] =	sst s0  }
0x18: {  	s0 =	sld [smem:$0x3F9E];
	_ =	swait.ge [sflag:s4], $0x0  }
0x19: {  	s7 =	sld [smem:$0x3F9F]  }
0x1a: {  	s8 =	sadd.s32 $0xFFFFE003, lr  }
0x1b: {  	s9 =	sadd.s32 $0xFFFFFEF7, lr;
	s5 =	simm.s32 $0xFFFFFFFF;
	p2 =	slt.u32 s8, $0xFFFFF086  }
0x1c: {  	p1 =	slt.u32 s9, $0xF7A;
	s5 =	simm.s32 @!p2 $0x0  }
0x1d: {  	s5 =	simm.s32 @p1 $0x1;
	p0 =	seq.s32 s7, s2  }
0x1e: {  	s7 =	smul.u32 @!p0 $0xF7A, s2;
	p2 =	seq.s32 @!p0 s5, $0x0  }
0x1f: {  	s9 =	smul.u32 $0xF7A, s1;
	s8 =	simm.s32 @!p0 $0x1BF5;
	p2 =	por !p2, p0  }
0x20: {  	[sflag:s8] =	ssyncset.s32 @!p0 $0xFFFFF086;
	s6 =	sadd.s32 @!p0 s3, s7;
	s7 =	simm.s32 @!p0 $0x108  }
0x21: {  	s3 =	sadd.s32 s3, s9;
	s6 =	sadd.s32 @!p0 $0x88, s6;
	s7 =	simm.s32 @p2 $0x1082  }
0x22: {  	[simem:s7], [sflag:s8] =	dma.local @!p0 [hbm:s6], $0xF7A  }
0x23: {  	s9 =	sor.u32 $0xD0000000, s2;
	s6 =	simm.s32 $0x108;
	_ =	swait.ge @!p0 [sflag:s8], $0x0  }
0x24: {  	s3 =	sadd.s32 $0x88, s3;
	s6 =	simm.s32 @!p1 $0x1082;
	[sflag:s4] =	ssyncset.s32 $0xFFFFF086  }
0x25: {  	[simem:s6], [sflag:s4] =	dma.local [hbm:s3], $0xF7A  }
0x26: {  	[smem:$0x3F9F] =	sst s1;
	(tag) =	ssettag s2;
	_ =	strace s9  }
0x27: {  	s1 =	sld [smem:$0x3FAF]  }
0x28: {  	s2 =	sld [smem:$0x3FB0]  }
0x29: {  	s4 =	sld [smem:$0x3FB2]  }
0x2a: {  	p0 =	seq.s32 s5, $0x0;
	s5 =	sld [smem:$0x3FB3]  }
0x2b: {  	s6 =	sld [smem:$0x3FB4]  }
0x2c: {  	s7 =	sld [smem:$0x3FB5]  }
0x2d: {  	s3 =	simm.s32 $0x108;
	s8 =	sld [smem:$0x3FB6]  }
0x2e: {  	s3 =	simm.s32 @!p0 $0x1082;
	s9 =	sld [smem:$0x3FB7]  }
0x2f: {  	lr =	sadd.s32 s0, s3;
	s0 =	sld [smem:$0x3FAE]  }
0x30: {  	s3 =	sld [smem:$0x3FB1]  }
0x31: {  	[smem:$0x3FBA] =	sst s10  }
0x32: {  	s10 =	sld [smem:$0x3FB8];
	_ =	sdelay $0x3  }
0x33: {  	p0 =	seq.s32 s10, $0x1;
	s10 =	sld [smem:$0x3FBA];
	_ =	sdelay $0x3  }
0x34: {  	[smem:$0x3FBA] =	sst s10  }
0x35: {  	s10 =	sld [smem:$0x3FB9];
	_ =	sdelay $0x3  }
0x36: {  	p1 =	seq.s32 s10, $0x1;
	s10 =	sld [smem:$0x3FBA];
	_ =	sdelay $0x3  }
0x37: {  	[smem:$0x3FBA] =	sst s10  }
0x38: {  	s10 =	sld [smem:$0x3FBB]  }
0x39: {  	_ = 	snop;
	(pc) =	sbr.ind lr, $3  }
0x3a: {  	_ = 	snop  }
0x3b: {  	_ = 	snop  }
0x3c: {  	p2 =	seq.s32 s10, $0x1;
	s10 =	sld [smem:$0x3FBA]  }
0x3d: {  	_ =	shalt  }
0x3e: {  	_ =	shalt  }
0x3f: {  	_ =	shalt  }
0x40: {  	_ =	shalt  }
0x41: {  	_ =	shalt  }
0x42: {  	_ =	shalt  }
0x43: {  	_ =	shalt  }
0x44: {  	_ =	shalt  }
0x45: {  	_ =	shalt  }
0x46: {  	_ =	shalt  }
0x47: {  	_ =	shalt  }
0x48: {  	_ =	shalt  }
0x49: {  	_ =	shalt  }
0x4a: {  	_ =	shalt  }
0x4b: {  	_ =	shalt  }
0x4c: {  	_ =	shalt  }
0x4d: {  	_ =	shalt  }
0x4e: {  	_ =	shalt  }
0x4f: {  	_ =	shalt  }
0x50: {  	_ =	shalt  }
0x51: {  	_ =	shalt  }
0x52: {  	_ =	shalt  }
0x53: {  	_ =	shalt  }
0x54: {  	_ =	shalt  }
0x55: {  	_ =	shalt  }
0x56: {  	_ =	shalt  }
0x57: {  	_ =	shalt  }
0x58: {  	_ =	shalt  }
0x59: {  	_ =	shalt  }
0x5a: {  	_ =	shalt  }
0x5b: {  	_ =	shalt  }
0x5c: {  	_ =	shalt  }
0x5d: {  	_ =	shalt  }
0x5e: {  	_ =	shalt  }
0x5f: {  	_ =	shalt  }
0x60: {  	_ =	shalt  }
0x61: {  	_ =	shalt  }
0x62: {  	_ =	shalt  }
0x63: {  	_ =	shalt  }
0x64: {  	_ =	shalt  }
0x65: {  	_ =	shalt  }
0x66: {  	_ =	shalt  }
0x67: {  	_ =	shalt  }
0x68: {  	_ =	shalt  }
0x69: {  	_ =	shalt  }
0x6a: {  	_ =	shalt  }
0x6b: {  	_ =	shalt  }
0x6c: {  	_ =	shalt  }
0x6d: {  	_ =	shalt  }
0x6e: {  	_ =	shalt  }
0x6f: {  	_ =	shalt  }
0x70: {  	_ =	shalt  }
0x71: {  	_ =	shalt  }
0x72: {  	_ =	shalt  }
0x73: {  	_ =	shalt  }
0x74: {  	_ =	shalt  }
0x75: {  	_ =	shalt  }
0x76: {  	_ =	shalt  }
0x77: {  	_ =	shalt  }
0x78: {  	_ =	shalt  }
0x79: {  	_ =	shalt  }
0x7a: {  	_ =	shalt  }
0x7b: {  	_ =	shalt  }
0x7c: {  	_ =	shalt  }
0x7d: {  	_ =	shalt  }
0x7e: {  	_ =	shalt  }
0x7f: {  	_ =	shalt  }
0x80: {  	_ =	shalt  }
0x81: {  	_ =	shalt  }
0x82: {  	_ =	shalt  }
0x83: {  	_ =	shalt  }
0x84: {  	_ =	shalt  }
0x85: {  	_ =	shalt  }
0x86: {  	_ =	shalt  }
0x87: {  	_ =	shalt  }
.Lfunc_end0:
.L_simem_size_0:
called_computation_lowered:
.L_overlay_start_0:
0x88: {  	s2 =	sld [smem:$0x3FD9]  }
0x89: {  	s3 =	sld [smem:$0x3FFE];
	_ =	sdelay $0x1  }
0x8a: {  	s1 =	srdreg.scid  }
0x8b: {  	s0 =	sand.u32 $0x1, s1  }
0x8c: {  	s18 =	sshll.u32 s0, $0xA;
	s2 =	sadd.s32 s3, s2  }
0x8d: {  	s2 =	sadd.s32 s2, s18  }
0x8e: {  	[smem:$0x3FC6] =	sst s2  }
0x8f: {  	_ = 	snop  }
0x90: {  	s2 =	sld [smem:$0x3FC9]  }
0x91: {  	s19 =	sld [smem:$0x3FC8]  }
0x92: {  	s4 =	sld [smem:$0x3FD0];
	(tm) =	ssettm $0x1  }
0x93: {  	s5 =	sld [smem:$0x3FFB];
	_ =	sdelay $0x3  }
0x94: {  	_ =	strace s5  }
0x95: {  	s5 =	sld [smem:$0x3FFC];
	_ =	sdelay $0x3  }
0x96: {  	_ =	strace s5  }
0x97: {  	s5 =	sld [smem:$0x3FFD];
	_ =	sdelay $0x3  }
0x98: {  	_ =	strace s5  }
0x99: {  	_ =	strace $0x8FFFFFFF  }
0x9a: {  	s20 =	sld [smem:$0x3FDB];
	_ =	sdelay $0x1  }
0x9b: {  	s6 =	simm.s32 $_scs_section_size  }
0x9c: {  	s7 =	simm.s32 $_size__tile_overlayer_lowered;
	s8 =	simm.s32 $_tile_overlayer_lowered  }
0x9d: {  	s23 =	simm.s32 $0x1BFF;
	s22 =	sshll.u32 s8, $0x1;
	s5 =	sadd.s32 s6, s20  }
0x9e: {  	s9 =	simm.s32 $0x0;
	s21 =	sshll.u32 s7, $0x1;
	s7 =	sadd.s32 s22, s5  }
0x9f: {  	[timem:s9], [sflag:s23] =	dma.local [hbm:s7], s21  }
0xa0: {  	_ =	swait.ge [sflag:s23], s21  }
0xa1: {  	s6 =	ssub.s32 $0x0, s21;
	[sflag:s23] =	ssyncset.done $0x0  }
0xa2: {  	[sflag:s23] =	ssyncadd.s32 s6;
	_ =	sdelay $0x1  }
0xa3: {  	s24 =	simm.s32 $0x1B8B  }
0xa4: {  	_ =	swait.ge [sflag:s24], $0x1  }
0xa5: {  	[sflag:s24] =	ssyncset.done $0x0  }
0xa6: {  	s25 =	simm.s32 $0x1B8E;
	[sflag:s24] =	ssyncadd.s32 $0xFFFFFFFF  }
0xa7: {  	s26 =	simm.s32 $execute0_lowered;
	[smem:$0x3FD2] =	sst s25  }
0xa8: {  	s6 =	sshll.u32 s26, $0x1;
	_ =	strace $0x80000046;
	[dreg:$0x1] =	wrdreg $0xFFFFFFFF  }
0xa9: {  	s28 =	simm.s32 $_size_execute0_lowered;
	s5 =	sadd.s32 s5, s6;
	[dreg:$0x0] =	wrdreg $0x0  }
0xaa: {  	s6 =	sshll.u32 s28, $0x1;
	[dreg:$0x2] =	wrdreg s5  }
0xab: {  	[dreg:$0x3] =	wrdreg s6  }
0xac: {  	[dreg:$0x4] =	wrdreg $0xC0  }
0xad: {  	_ =	task [dreg:s9], $0x5FFFF  }
0xae: {  	[dreg:$0x1] =	wrdreg $0xFFFFFFFF  }
0xaf: {  	[dreg:$0x0] =	wrdreg $0x60  }
0xb0: {  	[dreg:$0x2] =	wrdreg s2  }
0xb1: {  	[dreg:$0x3] =	wrdreg s19  }
0xb2: {  	[dreg:$0x4] =	wrdreg s4  }
0xb3: {  	[dreg:$0x5] =	wrdreg $0x9  }
0xb4: {  	_ =	task.clear_ibuf [dreg:s9], $0x6FFFF;
	_ =	strace $0x90000046  }
0xb5: {  	s29 =	simm.s32 $0x9;
	_ =	strace $0x80000048  }
0xb6: {  	_ =	swait.ge [sflag:s29], $0x1  }
0xb7: {  	[sflag:s29] =	ssyncadd.s32 $0xFFFFFFFF  }
0xb8: {  	_ =	strace $0x90000048  }
0xb9: {  	_ =	sfence  }
0xba: {  	s30 =	sld [smem:$0x0];
	_ =	sdelay $0x2  }
0xbb: {  	s31 =	sshll.u32 s1, $0xD;
	s1 =	sshrl.u32 s1, $0x2  }
0xbc: {  	s3 =	sand.u32 $0x4000, s31;
	s1 =	sadd.s32 s1, s30  }
0xbd: {  	s0 =	sor.u32 s3, s0;
	s1 =	sshll.u32 s1, $0x11  }
0xbe: {  	s0 =	sor.u32 s1, s0  }
0xbf: {  	s0 =	sadd.s32 $0x8F2B, s0  }
0xc0: {  	[sflag:s0] =	ssyncadd.remote.s32 $0x1  }
0xc1: {  	_ =	sfence.sel $0xFFFF  }
0xc2: {  	[dreg:$0x0] =	wrdreg $0xFFFFFFFF;
	(pc) =	sbr.abs _section_cstart, $3  }
0xc3: {  	[dreg:$0x1] =	wrdreg $0xFFFFFFFF  }
0xc4: {  	_ =	task.clear_ibuf [dreg:s9], $0x2FFFF;
	_ =	strace $0x9FFFFFFF  }
0xc5: {  	(tm) =	ssettm $0x7FFFFFFF  }
tec
execute0_lowered:
.L_overlay_start_1:
0x0: {  	(tag) =	ssettag $0x1  }
0x1: {  	s1 =	rddreg [dreg:$0x0]  }
0x2: {  	s2 =	rddreg [dreg:$0x1]  }
0x3: {  	s3 =	rddreg [dreg:$0x2];
	s4 =	srdreg.scid  }
0x4: {  	s0 =	rddreg [dreg:$0x3];
	s5 =	simm.s32 $0x0;
	s10 =	simm.s32 $0x2  }
0x5: {  	s11 =	simm.s32 $0x3;
	s12 =	simm.s32 $0x0;
	s6 =	sand.u32 $0x1, s4  }
0x6: {  	[smem:$0x7FF] =	sst s5;
	s4 =	stileid.u32;
	s7 =	ssub.s32 $0x2, s6  }
0x7: {  	s9 =	sshll.u32 s4, $0x12;
	s6 =	sshll.u32 s6, $0x11;
	s8 =	sshrl.u32 s7, $0x1  }
0x8: {  	_ =	strace $0x80000047;
	s6 =	sor.u32 s6, s9;
	s7 =	ssub.s32 s7, s8  }
0x9: {  	s9 =	simm.s32 $0x1;
	s8 =	simm.s32 $0x8000;
	s7 =	smax.u32 s7, $0x1  }
.LBB2_1:
0xa: {  	s13 =	simm.s32 $0x0  }
.LBB2_2:
0xb: {  	s14 =	sshll.u32 s13, $0xC  }
0xc: {  	s14 =	sadd.s32 s6, s14  }
0xd: {  	s15 =	simm.s32 $0x0;
	s16 =	sadd.s32 s1, s14;
	s19 =	sand.u32 $0xFF000, s14  }
0xe: {  	[tilespmem:s15], [sflag:$0x1] =	stream.linear.gather [hbm4b:s16+s15], $0x8000, $0x38;
	[tilespmem:$0x10000] =	vst v63  }
0xf: {  	s16 =	sadd.s32 s2, s19  }
0x10: {  	[tilespmem:s8], [sflag:$0x2] =	stream.linear.gather [hbm4b:s16+s15], $0x8000, $0x38;
	[tilespmem:$0x10000] =	vst v63  }
0x11: {  	_ =	swait.ge [sflag:s9], $0x8000  }
0x12: {  	[sflag:s9] =	ssyncset.done $0x0  }
0x13: {  	[sflag:s9] =	ssyncadd.s32 $0xFFFF8000  }
0x14: {  	s20 =	simm.s32 $0x0;
	_ =	swait.ge [sflag:s10], $0x8000  }
0x15: {  	s17 =	sand.u32 $0x380, s15;
	s16 =	sand.u32 $0x6000, s20;
	[sflag:s10] =	ssyncset.done $0x0  }
0x16: {  	s16 =	sor.u32 s17, s16;
	[sflag:s10] =	ssyncadd.s32 $0xFFFF8000  }
0x17: {  	v0 =	vld [tilespmem:s16+$0x8000]  }
0x18: {  	v1 =	vld [tilespmem:s16+$0x8010];
	_ =	sdelay $0x3  }
0x19: {  	s17 =	sor.u32 $0x10, s16;
	[tilespmem:s16+$0x0] =	vst.add.f32.msk $0xffff, v0  }
0x1a: {  	[tilespmem:s17+$0x0] =	vst.add.f32.msk $0xffff, v1  }
0x1b: {  	v0 =	vld [tilespmem:s16+$0x8020];
	_ =	sdelay $0x3  }
0x1c: {  	s21 =	sor.u32 $0x20, s16  }
0x1d: {  	[tilespmem:s21+$0x0] =	vst.add.f32.msk $0xffff, v0  }
0x1e: {  	v0 =	vld [tilespmem:s16+$0x8030];
	_ =	sdelay $0x3  }
0x1f: {  	s22 =	sor.u32 $0x30, s16  }
0x20: {  	[tilespmem:s22+$0x0] =	vst.add.f32.msk $0xffff, v0  }
0x21: {  	v0 =	vld [tilespmem:s16+$0x8040];
	_ =	sdelay $0x3  }
0x22: {  	s23 =	sor.u32 $0x40, s16  }
0x23: {  	[tilespmem:s23+$0x0] =	vst.add.f32.msk $0xffff, v0  }
0x24: {  	v0 =	vld [tilespmem:s16+$0x8050];
	_ =	sdelay $0x3  }
0x25: {  	s24 =	sor.u32 $0x50, s16  }
0x26: {  	[tilespmem:s24+$0x0] =	vst.add.f32.msk $0xffff, v0  }
0x27: {  	v0 =	vld [tilespmem:s16+$0x8060];
	_ =	sdelay $0x3  }
0x28: {  	s25 =	sor.u32 $0x60, s16  }
0x29: {  	[tilespmem:s25+$0x0] =	vst.add.f32.msk $0xffff, v0  }
0x2a: {  	v0 =	vld [tilespmem:s16+$0x8070];
	_ =	sdelay $0x3  }
0x2b: {  	s26 =	sor.u32 $0x70, s16  }
0x2c: {  	[tilespmem:s26+$0x0] =	vst.add.f32.msk $0xffff, v0  }
0x2d: {  	v0 =	vld [tilespmem:s16+$0x8400];
	_ =	sdelay $0x3  }
0x2e: {  	s28 =	sor.u32 $0x400, s16  }
0x2f: {  	[tilespmem:s28+$0x0] =	vst.add.f32.msk $0xffff, v0  }
0x30: {  	v0 =	vld [tilespmem:s16+$0x8410];
	_ =	sdelay $0x3  }
0x31: {  	s29 =	sor.u32 $0x410, s16  }
0x32: {  	[tilespmem:s29+$0x0] =	vst.add.f32.msk $0xffff, v0  }
0x33: {  	v0 =	vld [tilespmem:s16+$0x8420];
	_ =	sdelay $0x3  }
0x34: {  	s30 =	sor.u32 $0x420, s16  }
0x35: {  	[tilespmem:s30+$0x0] =	vst.add.f32.msk $0xffff, v0  }
0x36: {  	v0 =	vld [tilespmem:s16+$0x8430];
	_ =	sdelay $0x3  }
0x37: {  	s31 =	sor.u32 $0x430, s16  }
0x38: {  	[tilespmem:s31+$0x0] =	vst.add.f32.msk $0xffff, v0  }
0x39: {  	v0 =	vld [tilespmem:s16+$0x8440];
	_ =	sdelay $0x3  }
0x3a: {  	s18 =	sor.u32 $0x440, s16  }
0x3b: {  	[tilespmem:s18+$0x0] =	vst.add.f32.msk $0xffff, v0  }
0x3c: {  	v0 =	vld [tilespmem:s16+$0x8450];
	_ =	sdelay $0x3  }
0x3d: {  	s19 =	sor.u32 $0x450, s16  }
0x3e: {  	[tilespmem:s19+$0x0] =	vst.add.f32.msk $0xffff, v0  }
0x3f: {  	v0 =	vld [tilespmem:s16+$0x8460];
	_ =	sdelay $0x3  }
0x40: {  	s20 =	sor.u32 $0x460, s16  }
0x41: {  	[tilespmem:s20+$0x0] =	vst.add.f32.msk $0xffff, v0  }
0x42: {  	v0 =	vld [tilespmem:s16+$0x8470];
	_ =	sdelay $0x3  }
0x43: {  	s21 =	sor.u32 $0x470, s16  }
0x44: {  	[tilespmem:s21+$0x0] =	vst.add.f32.msk $0xffff, v0  }
0x45: {  	v0 =	vld [tilespmem:s16+$0x8800];
	_ =	sdelay $0x3  }
0x46: {  	s22 =	sor.u32 $0x800, s16  }
0x47: {  	[tilespmem:s22+$0x0] =	vst.add.f32.msk $0xffff, v0  }
0x48: {  	v0 =	vld [tilespmem:s16+$0x8810];
	_ =	sdelay $0x3  }
0x49: {  	s23 =	sor.u32 $0x810, s16  }
0x4a: {  	[tilespmem:s23+$0x0] =	vst.add.f32.msk $0xffff, v0  }
0x4b: {  	v0 =	vld [tilespmem:s16+$0x8820];
	_ =	sdelay $0x3  }
0x4c: {  	s24 =	sor.u32 $0x820, s16  }
0x4d: {  	[tilespmem:s24+$0x0] =	vst.add.f32.msk $0xffff, v0  }
0x4e: {  	v0 =	vld [tilespmem:s16+$0x8830];
	_ =	sdelay $0x3  }
0x4f: {  	s25 =	sor.u32 $0x830, s16  }
0x50: {  	[tilespmem:s25+$0x0] =	vst.add.f32.msk $0xffff, v0  }
0x51: {  	v0 =	vld [tilespmem:s16+$0x8840];
	_ =	sdelay $0x3  }
0x52: {  	s26 =	sor.u32 $0x840, s16  }
0x53: {  	[tilespmem:s26+$0x0] =	vst.add.f32.msk $0xffff, v0  }
0x54: {  	v0 =	vld [tilespmem:s16+$0x8850];
	_ =	sdelay $0x3  }
0x55: {  	s28 =	sor.u32 $0x850, s16  }
0x56: {  	[tilespmem:s28+$0x0] =	vst.add.f32.msk $0xffff, v0  }
0x57: {  	v0 =	vld [tilespmem:s16+$0x8860];
	_ =	sdelay $0x3  }
0x58: {  	s29 =	sor.u32 $0x860, s16  }
0x59: {  	[tilespmem:s29+$0x0] =	vst.add.f32.msk $0xffff, v0  }
0x5a: {  	v0 =	vld [tilespmem:s16+$0x8870];
	_ =	sdelay $0x3  }
0x5b: {  	s30 =	sor.u32 $0x870, s16  }
0x5c: {  	[tilespmem:s30+$0x0] =	vst.add.f32.msk $0xffff, v0  }
0x5d: {  	v0 =	vld [tilespmem:s16+$0x8C00];
	_ =	sdelay $0x3  }
0x5e: {  	s31 =	sor.u32 $0xC00, s16  }
0x5f: {  	[tilespmem:s31+$0x0] =	vst.add.f32.msk $0xffff, v0  }
0x60: {  	v0 =	vld [tilespmem:s16+$0x8C10];
	_ =	sdelay $0x3  }
0x61: {  	s18 =	sor.u32 $0xC10, s16  }
0x62: {  	[tilespmem:s18+$0x0] =	vst.add.f32.msk $0xffff, v0  }
0x63: {  	v0 =	vld [tilespmem:s16+$0x8C20];
	_ =	sdelay $0x3  }
0x64: {  	s19 =	sor.u32 $0xC20, s16  }
0x65: {  	[tilespmem:s19+$0x0] =	vst.add.f32.msk $0xffff, v0  }
0x66: {  	v0 =	vld [tilespmem:s16+$0x8C30];
	_ =	sdelay $0x3  }
0x67: {  	s20 =	sor.u32 $0xC30, s16  }
0x68: {  	[tilespmem:s20+$0x0] =	vst.add.f32.msk $0xffff, v0  }
0x69: {  	v0 =	vld [tilespmem:s16+$0x8C40];
	_ =	sdelay $0x3  }
0x6a: {  	s21 =	sor.u32 $0xC40, s16  }
0x6b: {  	[tilespmem:s21+$0x0] =	vst.add.f32.msk $0xffff, v0  }
0x6c: {  	v0 =	vld [tilespmem:s16+$0x8C50];
	_ =	sdelay $0x3  }
0x6d: {  	s22 =	sor.u32 $0xC50, s16  }
0x6e: {  	[tilespmem:s22+$0x0] =	vst.add.f32.msk $0xffff, v0  }
0x6f: {  	v0 =	vld [tilespmem:s16+$0x8C60];
	_ =	sdelay $0x3  }
0x70: {  	s23 =	sor.u32 $0xC60, s16  }
0x71: {  	[tilespmem:s23+$0x0] =	vst.add.f32.msk $0xffff, v0  }
0x72: {  	v0 =	vld [tilespmem:s16+$0x8C70];
	_ =	sdelay $0x3  }
0x73: {  	s24 =	sor.u32 $0xC70, s16  }
0x74: {  	[tilespmem:s24+$0x0] =	vst.add.f32.msk $0xffff, v0  }
0x75: {  	v0 =	vld [tilespmem:s16+$0x9000];
	_ =	sdelay $0x3  }
0x76: {  	s25 =	sor.u32 $0x1000, s16  }
0x77: {  	[tilespmem:s25+$0x0] =	vst.add.f32.msk $0xffff, v0  }
0x78: {  	v0 =	vld [tilespmem:s16+$0x9010];
	_ =	sdelay $0x3  }
0x79: {  	s26 =	sor.u32 $0x1010, s16  }
0x7a: {  	[tilespmem:s26+$0x0] =	vst.add.f32.msk $0xffff, v0  }
0x7b: {  	v0 =	vld [tilespmem:s16+$0x9020];
	_ =	sdelay $0x3  }
0x7c: {  	s28 =	sor.u32 $0x1020, s16  }
0x7d: {  	[tilespmem:s28+$0x0] =	vst.add.f32.msk $0xffff, v0  }
0x7e: {  	v0 =	vld [tilespmem:s16+$0x9030];
	_ =	sdelay $0x3  }
0x7f: {  	s29 =	sor.u32 $0x1030, s16  }
0x80: {  	[tilespmem:s29+$0x0] =	vst.add.f32.msk $0xffff, v0  }
0x81: {  	v0 =	vld [tilespmem:s16+$0x9040];
	_ =	sdelay $0x3  }
0x82: {  	s30 =	sor.u32 $0x1040, s16  }
0x83: {  	[tilespmem:s30+$0x0] =	vst.add.f32.msk $0xffff, v0  }
0x84: {  	v0 =	vld [tilespmem:s16+$0x9050];
	_ =	sdelay $0x3  }
0x85: {  	s31 =	sor.u32 $0x1050, s16  }
0x86: {  	[tilespmem:s31+$0x0] =	vst.add.f32.msk $0xffff, v0  }
0x87: {  	v0 =	vld [tilespmem:s16+$0x9060];
	_ =	sdelay $0x3  }
0x88: {  	s18 =	sor.u32 $0x1060, s16  }
0x89: {  	[tilespmem:s18+$0x0] =	vst.add.f32.msk $0xffff, v0  }
0x8a: {  	v0 =	vld [tilespmem:s16+$0x9070];
	_ =	sdelay $0x3  }
0x8b: {  	s19 =	sor.u32 $0x1070, s16  }
0x8c: {  	[tilespmem:s19+$0x0] =	vst.add.f32.msk $0xffff, v0  }
0x8d: {  	v0 =	vld [tilespmem:s16+$0x9400];
	_ =	sdelay $0x3  }
0x8e: {  	s20 =	sor.u32 $0x1400, s16  }
0x8f: {  	[tilespmem:s20+$0x0] =	vst.add.f32.msk $0xffff, v0  }
0x90: {  	v0 =	vld [tilespmem:s16+$0x9410];
	_ =	sdelay $0x3  }
0x91: {  	s21 =	sor.u32 $0x1410, s16  }
0x92: {  	[tilespmem:s21+$0x0] =	vst.add.f32.msk $0xffff, v0  }
0x93: {  	v0 =	vld [tilespmem:s16+$0x9420];
	_ =	sdelay $0x3  }
0x94: {  	s22 =	sor.u32 $0x1420, s16  }
0x95: {  	[tilespmem:s22+$0x0] =	vst.add.f32.msk $0xffff, v0  }
0x96: {  	v0 =	vld [tilespmem:s16+$0x9430];
	_ =	sdelay $0x3  }
0x97: {  	s23 =	sor.u32 $0x1430, s16  }
0x98: {  	[tilespmem:s23+$0x0] =	vst.add.f32.msk $0xffff, v0  }
0x99: {  	v0 =	vld [tilespmem:s16+$0x9440];
	_ =	sdelay $0x3  }
0x9a: {  	s24 =	sor.u32 $0x1440, s16  }
0x9b: {  	[tilespmem:s24+$0x0] =	vst.add.f32.msk $0xffff, v0  }
0x9c: {  	v0 =	vld [tilespmem:s16+$0x9450];
	_ =	sdelay $0x3  }
0x9d: {  	s25 =	sor.u32 $0x1450, s16  }
0x9e: {  	[tilespmem:s25+$0x0] =	vst.add.f32.msk $0xffff, v0  }
0x9f: {  	v0 =	vld [tilespmem:s16+$0x9460];
	_ =	sdelay $0x3  }
0xa0: {  	s26 =	sor.u32 $0x1460, s16  }
0xa1: {  	[tilespmem:s26+$0x0] =	vst.add.f32.msk $0xffff, v0  }
0xa2: {  	v0 =	vld [tilespmem:s16+$0x9470];
	_ =	sdelay $0x3  }
0xa3: {  	s28 =	sor.u32 $0x1470, s16  }
0xa4: {  	[tilespmem:s28+$0x0] =	vst.add.f32.msk $0xffff, v0  }
0xa5: {  	v0 =	vld [tilespmem:s16+$0x9800];
	_ =	sdelay $0x3  }
0xa6: {  	s29 =	sor.u32 $0x1800, s16  }
0xa7: {  	[tilespmem:s29+$0x0] =	vst.add.f32.msk $0xffff, v0  }
0xa8: {  	v0 =	vld [tilespmem:s16+$0x9810];
	_ =	sdelay $0x3  }
0xa9: {  	s30 =	sor.u32 $0x1810, s16  }
0xaa: {  	[tilespmem:s30+$0x0] =	vst.add.f32.msk $0xffff, v0  }
0xab: {  	v0 =	vld [tilespmem:s16+$0x9820];
	_ =	sdelay $0x3  }
0xac: {  	s31 =	sor.u32 $0x1820, s16  }
0xad: {  	[tilespmem:s31+$0x0] =	vst.add.f32.msk $0xffff, v0  }
0xae: {  	v0 =	vld [tilespmem:s16+$0x9830];
	_ =	sdelay $0x3  }
0xaf: {  	s18 =	sor.u32 $0x1830, s16  }
0xb0: {  	[tilespmem:s18+$0x0] =	vst.add.f32.msk $0xffff, v0  }
0xb1: {  	v0 =	vld [tilespmem:s16+$0x9840];
	_ =	sdelay $0x3  }
0xb2: {  	s19 =	sor.u32 $0x1840, s16  }
0xb3: {  	[tilespmem:s19+$0x0] =	vst.add.f32.msk $0xffff, v0  }
0xb4: {  	v0 =	vld [tilespmem:s16+$0x9850];
	_ =	sdelay $0x3  }
0xb5: {  	s20 =	sor.u32 $0x1850, s16  }
0xb6: {  	[tilespmem:s20+$0x0] =	vst.add.f32.msk $0xffff, v0  }
0xb7: {  	v0 =	vld [tilespmem:s16+$0x9860];
	_ =	sdelay $0x3  }
0xb8: {  	s21 =	sor.u32 $0x1860, s16  }
0xb9: {  	[tilespmem:s21+$0x0] =	vst.add.f32.msk $0xffff, v0  }
0xba: {  	v0 =	vld [tilespmem:s16+$0x9870];
	_ =	sdelay $0x1  }
0xbb: {  	s22 =	sand.u32 $0x7, s15  }
0xbc: {  	s17 =	sshll.u32 s22, $0x7  }
0xbd: {  	s17 =	sadd.s32 $0x0, s17;
	s16 =	sor.u32 $0x1870, s16  }
0xbe: {  	s23 =	sor.u32 $0x1C00, s17;
	[tilespmem:s16+$0x0] =	vst.add.f32.msk $0xffff, v0  }
0xbf: {  	v0 =	vld [tilespmem:s23+$0x8000];
	_ =	sdelay $0x4  }
0xc0: {  	s24 =	sor.u32 $0x1C10, s17;
	[tilespmem:s23+$0x0] =	vst.add.f32.msk $0xffff, v0  }
0xc1: {  	v0 =	vld [tilespmem:s24+$0x8000];
	_ =	sdelay $0x4  }
0xc2: {  	s25 =	sor.u32 $0x1C20, s17;
	[tilespmem:s24+$0x0] =	vst.add.f32.msk $0xffff, v0  }
0xc3: {  	v0 =	vld [tilespmem:s25+$0x8000];
	_ =	sdelay $0x4  }
0xc4: {  	s26 =	sor.u32 $0x1C30, s17;
	[tilespmem:s25+$0x0] =	vst.add.f32.msk $0xffff, v0  }
0xc5: {  	v0 =	vld [tilespmem:s26+$0x8000];
	_ =	sdelay $0x4  }
0xc6: {  	s28 =	sor.u32 $0x1C40, s17;
	[tilespmem:s26+$0x0] =	vst.add.f32.msk $0xffff, v0  }
0xc7: {  	v0 =	vld [tilespmem:s28+$0x8000];
	_ =	sdelay $0x4  }
0xc8: {  	s29 =	sor.u32 $0x1C50, s17;
	[tilespmem:s28+$0x0] =	vst.add.f32.msk $0xffff, v0  }
0xc9: {  	v0 =	vld [tilespmem:s29+$0x8000];
	_ =	sdelay $0x4  }
0xca: {  	s30 =	sor.u32 $0x1C60, s17;
	[tilespmem:s29+$0x0] =	vst.add.f32.msk $0xffff, v0  }
0xcb: {  	v0 =	vld [tilespmem:s30+$0x8000];
	_ =	sdelay $0x4  }
0xcc: {  	s21 =	sor.u32 $0x1C70, s17;
	[tilespmem:s30+$0x0] =	vst.add.f32.msk $0xffff, v0  }
0xcd: {  	v0 =	vld [tilespmem:s21+$0x8000]  }
0xce: {  	s18 =	simm.s32 $0x80  }
0xcf: {  	s22 =	simm.s32 $0x100;
	s31 =	simm.s32 $0x400;
	s19 =	sand.u32 $0x380, s18  }
0xd0: {  	s20 =	sand.u32 $0x6000, s31;
	s17 =	simm.s32 $0xFFFF8400;
	s16 =	simm.s32 $0x1  }
.LBB2_3:
0xd1: {  	s20 =	sor.u32 s19, s20  }
0xd2: {  	[tilespmem:s21+$0x0] =	vst.add.f32.msk $0xffff, v0;
	s15 =	sadd.s32 $0x400, s15;
	s19 =	smov.u32 s22;
	s18 =	sadd.s32 $0x80, s22  }
0xd3: {  	p0 =	sne.s32 s22, $0xF80;
	v0 =	vld [tilespmem:s20+$0x8000]  }
0xd4: {  	v1 =	vld [tilespmem:s20+$0x8010];
	_ =	sdelay $0x3  }
0xd5: {  	s21 =	sor.u32 $0x10, s20;
	[tilespmem:s20+$0x0] =	vst.add.f32.msk $0xffff, v0  }
0xd6: {  	[tilespmem:s21+$0x0] =	vst.add.f32.msk $0xffff, v1  }
0xd7: {  	v0 =	vld [tilespmem:s20+$0x8020];
	_ =	sdelay $0x3  }
0xd8: {  	s21 =	sor.u32 $0x20, s20  }
0xd9: {  	[tilespmem:s21+$0x0] =	vst.add.f32.msk $0xffff, v0  }
0xda: {  	v0 =	vld [tilespmem:s20+$0x8030];
	_ =	sdelay $0x3  }
0xdb: {  	s21 =	sor.u32 $0x30, s20  }
0xdc: {  	[tilespmem:s21+$0x0] =	vst.add.f32.msk $0xffff, v0  }
0xdd: {  	v0 =	vld [tilespmem:s20+$0x8040];
	_ =	sdelay $0x3  }
0xde: {  	s21 =	sor.u32 $0x40, s20  }
0xdf: {  	[tilespmem:s21+$0x0] =	vst.add.f32.msk $0xffff, v0  }
0xe0: {  	v0 =	vld [tilespmem:s20+$0x8050];
	_ =	sdelay $0x3  }
0xe1: {  	s21 =	sor.u32 $0x50, s20  }
0xe2: {  	[tilespmem:s21+$0x0] =	vst.add.f32.msk $0xffff, v0  }
0xe3: {  	v0 =	vld [tilespmem:s20+$0x8060];
	_ =	sdelay $0x3  }
0xe4: {  	s21 =	sor.u32 $0x60, s20  }
0xe5: {  	[tilespmem:s21+$0x0] =	vst.add.f32.msk $0xffff, v0  }
0xe6: {  	v0 =	vld [tilespmem:s20+$0x8070];
	_ =	sdelay $0x3  }
0xe7: {  	s21 =	sor.u32 $0x70, s20  }
0xe8: {  	[tilespmem:s21+$0x0] =	vst.add.f32.msk $0xffff, v0  }
0xe9: {  	v0 =	vld [tilespmem:s20+$0x8400];
	_ =	sdelay $0x3  }
0xea: {  	s21 =	sor.u32 $0x400, s20  }
0xeb: {  	[tilespmem:s21+$0x0] =	vst.add.f32.msk $0xffff, v0  }
0xec: {  	v0 =	vld [tilespmem:s20+$0x8410];
	_ =	sdelay $0x3  }
0xed: {  	s21 =	sor.u32 $0x410, s20  }
0xee: {  	[tilespmem:s21+$0x0] =	vst.add.f32.msk $0xffff, v0  }
0xef: {  	v0 =	vld [tilespmem:s20+$0x8420];
	_ =	sdelay $0x3  }
0xf0: {  	s21 =	sor.u32 $0x420, s20  }
0xf1: {  	[tilespmem:s21+$0x0] =	vst.add.f32.msk $0xffff, v0  }
0xf2: {  	v0 =	vld [tilespmem:s20+$0x8430];
	_ =	sdelay $0x3  }
0xf3: {  	s21 =	sor.u32 $0x430, s20  }
0xf4: {  	[tilespmem:s21+$0x0] =	vst.add.f32.msk $0xffff, v0  }
0xf5: {  	v0 =	vld [tilespmem:s20+$0x8440];
	_ =	sdelay $0x3  }
0xf6: {  	s21 =	sor.u32 $0x440, s20  }
0xf7: {  	[tilespmem:s21+$0x0] =	vst.add.f32.msk $0xffff, v0  }
0xf8: {  	v0 =	vld [tilespmem:s20+$0x8450];
	_ =	sdelay $0x3  }
0xf9: {  	s21 =	sor.u32 $0x450, s20  }
0xfa: {  	[tilespmem:s21+$0x0] =	vst.add.f32.msk $0xffff, v0  }
0xfb: {  	v0 =	vld [tilespmem:s20+$0x8460];
	_ =	sdelay $0x3  }
0xfc: {  	s21 =	sor.u32 $0x460, s20  }
0xfd: {  	[tilespmem:s21+$0x0] =	vst.add.f32.msk $0xffff, v0  }
0xfe: {  	v0 =	vld [tilespmem:s20+$0x8470];
	_ =	sdelay $0x3  }
0xff: {  	s21 =	sor.u32 $0x470, s20  }
0x100: {  	[tilespmem:s21+$0x0] =	vst.add.f32.msk $0xffff, v0  }
0x101: {  	v0 =	vld [tilespmem:s20+$0x8800];
	_ =	sdelay $0x3  }
0x102: {  	s21 =	sor.u32 $0x800, s20  }
0x103: {  	[tilespmem:s21+$0x0] =	vst.add.f32.msk $0xffff, v0  }
0x104: {  	v0 =	vld [tilespmem:s20+$0x8810];
	_ =	sdelay $0x3  }
0x105: {  	s21 =	sor.u32 $0x810, s20  }
0x106: {  	[tilespmem:s21+$0x0] =	vst.add.f32.msk $0xffff, v0  }
0x107: {  	v0 =	vld [tilespmem:s20+$0x8820];
	_ =	sdelay $0x3  }
0x108: {  	s21 =	sor.u32 $0x820, s20  }
0x109: {  	[tilespmem:s21+$0x0] =	vst.add.f32.msk $0xffff, v0  }
0x10a: {  	v0 =	vld [tilespmem:s20+$0x8830];
	_ =	sdelay $0x3  }
0x10b: {  	s21 =	sor.u32 $0x830, s20  }
0x10c: {  	[tilespmem:s21+$0x0] =	vst.add.f32.msk $0xffff, v0  }
0x10d: {  	v0 =	vld [tilespmem:s20+$0x8840];
	_ =	sdelay $0x3  }
0x10e: {  	s21 =	sor.u32 $0x840, s20  }
0x10f: {  	[tilespmem:s21+$0x0] =	vst.add.f32.msk $0xffff, v0  }
0x110: {  	v0 =	vld [tilespmem:s20+$0x8850];
	_ =	sdelay $0x3  }
0x111: {  	s21 =	sor.u32 $0x850, s20  }
0x112: {  	[tilespmem:s21+$0x0] =	vst.add.f32.msk $0xffff, v0  }
0x113: {  	v0 =	vld [tilespmem:s20+$0x8860];
	_ =	sdelay $0x3  }
0x114: {  	s21 =	sor.u32 $0x860, s20  }
0x115: {  	[tilespmem:s21+$0x0] =	vst.add.f32.msk $0xffff, v0  }
0x116: {  	v0 =	vld [tilespmem:s20+$0x8870];
	_ =	sdelay $0x3  }
0x117: {  	s21 =	sor.u32 $0x870, s20  }
0x118: {  	[tilespmem:s21+$0x0] =	vst.add.f32.msk $0xffff, v0  }
0x119: {  	v0 =	vld [tilespmem:s20+$0x8C00];
	_ =	sdelay $0x3  }
0x11a: {  	s21 =	sor.u32 $0xC00, s20  }
0x11b: {  	[tilespmem:s21+$0x0] =	vst.add.f32.msk $0xffff, v0  }
0x11c: {  	v0 =	vld [tilespmem:s20+$0x8C10];
	_ =	sdelay $0x3  }
0x11d: {  	s21 =	sor.u32 $0xC10, s20  }
0x11e: {  	[tilespmem:s21+$0x0] =	vst.add.f32.msk $0xffff, v0  }
0x11f: {  	v0 =	vld [tilespmem:s20+$0x8C20];
	_ =	sdelay $0x3  }
0x120: {  	s21 =	sor.u32 $0xC20, s20  }
0x121: {  	[tilespmem:s21+$0x0] =	vst.add.f32.msk $0xffff, v0  }
0x122: {  	v0 =	vld [tilespmem:s20+$0x8C30];
	_ =	sdelay $0x3  }
0x123: {  	s21 =	sor.u32 $0xC30, s20  }
0x124: {  	[tilespmem:s21+$0x0] =	vst.add.f32.msk $0xffff, v0  }
0x125: {  	v0 =	vld [tilespmem:s20+$0x8C40];
	_ =	sdelay $0x3  }
0x126: {  	s21 =	sor.u32 $0xC40, s20  }
0x127: {  	[tilespmem:s21+$0x0] =	vst.add.f32.msk $0xffff, v0  }
0x128: {  	v0 =	vld [tilespmem:s20+$0x8C50];
	_ =	sdelay $0x3  }
0x129: {  	s21 =	sor.u32 $0xC50, s20  }
0x12a: {  	[tilespmem:s21+$0x0] =	vst.add.f32.msk $0xffff, v0  }
0x12b: {  	v0 =	vld [tilespmem:s20+$0x8C60];
	_ =	sdelay $0x3  }
0x12c: {  	s21 =	sor.u32 $0xC60, s20  }
0x12d: {  	[tilespmem:s21+$0x0] =	vst.add.f32.msk $0xffff, v0  }
0x12e: {  	v0 =	vld [tilespmem:s20+$0x8C70];
	_ =	sdelay $0x3  }
0x12f: {  	s21 =	sor.u32 $0xC70, s20  }
0x130: {  	[tilespmem:s21+$0x0] =	vst.add.f32.msk $0xffff, v0  }
0x131: {  	v0 =	vld [tilespmem:s20+$0x9000];
	_ =	sdelay $0x3  }
0x132: {  	s21 =	sor.u32 $0x1000, s20  }
0x133: {  	[tilespmem:s21+$0x0] =	vst.add.f32.msk $0xffff, v0  }
0x134: {  	v0 =	vld [tilespmem:s20+$0x9010];
	_ =	sdelay $0x3  }
0x135: {  	s21 =	sor.u32 $0x1010, s20  }
0x136: {  	[tilespmem:s21+$0x0] =	vst.add.f32.msk $0xffff, v0  }
0x137: {  	v0 =	vld [tilespmem:s20+$0x9020];
	_ =	sdelay $0x3  }
0x138: {  	s21 =	sor.u32 $0x1020, s20  }
0x139: {  	[tilespmem:s21+$0x0] =	vst.add.f32.msk $0xffff, v0  }
0x13a: {  	v0 =	vld [tilespmem:s20+$0x9030];
	_ =	sdelay $0x3  }
0x13b: {  	s21 =	sor.u32 $0x1030, s20  }
0x13c: {  	[tilespmem:s21+$0x0] =	vst.add.f32.msk $0xffff, v0  }
0x13d: {  	v0 =	vld [tilespmem:s20+$0x9040];
	_ =	sdelay $0x3  }
0x13e: {  	s21 =	sor.u32 $0x1040, s20  }
0x13f: {  	[tilespmem:s21+$0x0] =	vst.add.f32.msk $0xffff, v0  }
0x140: {  	v0 =	vld [tilespmem:s20+$0x9050];
	_ =	sdelay $0x3  }
0x141: {  	s21 =	sor.u32 $0x1050, s20  }
0x142: {  	[tilespmem:s21+$0x0] =	vst.add.f32.msk $0xffff, v0  }
0x143: {  	v0 =	vld [tilespmem:s20+$0x9060];
	_ =	sdelay $0x3  }
0x144: {  	s21 =	sor.u32 $0x1060, s20  }
0x145: {  	[tilespmem:s21+$0x0] =	vst.add.f32.msk $0xffff, v0  }
0x146: {  	v0 =	vld [tilespmem:s20+$0x9070];
	_ =	sdelay $0x3  }
0x147: {  	s21 =	sor.u32 $0x1070, s20  }
0x148: {  	[tilespmem:s21+$0x0] =	vst.add.f32.msk $0xffff, v0  }
0x149: {  	v0 =	vld [tilespmem:s20+$0x9400];
	_ =	sdelay $0x3  }
0x14a: {  	s21 =	sor.u32 $0x1400, s20  }
0x14b: {  	[tilespmem:s21+$0x0] =	vst.add.f32.msk $0xffff, v0  }
0x14c: {  	v0 =	vld [tilespmem:s20+$0x9410];
	_ =	sdelay $0x3  }
0x14d: {  	s21 =	sor.u32 $0x1410, s20  }
0x14e: {  	[tilespmem:s21+$0x0] =	vst.add.f32.msk $0xffff, v0  }
0x14f: {  	v0 =	vld [tilespmem:s20+$0x9420];
	_ =	sdelay $0x3  }
0x150: {  	s21 =	sor.u32 $0x1420, s20  }
0x151: {  	[tilespmem:s21+$0x0] =	vst.add.f32.msk $0xffff, v0  }
0x152: {  	v0 =	vld [tilespmem:s20+$0x9430];
	_ =	sdelay $0x3  }
0x153: {  	s21 =	sor.u32 $0x1430, s20  }
0x154: {  	[tilespmem:s21+$0x0] =	vst.add.f32.msk $0xffff, v0  }
0x155: {  	v0 =	vld [tilespmem:s20+$0x9440];
	_ =	sdelay $0x3  }
0x156: {  	s21 =	sor.u32 $0x1440, s20  }
0x157: {  	[tilespmem:s21+$0x0] =	vst.add.f32.msk $0xffff, v0  }
0x158: {  	v0 =	vld [tilespmem:s20+$0x9450];
	_ =	sdelay $0x3  }
0x159: {  	s21 =	sor.u32 $0x1450, s20  }
0x15a: {  	[tilespmem:s21+$0x0] =	vst.add.f32.msk $0xffff, v0  }
0x15b: {  	v0 =	vld [tilespmem:s20+$0x9460];
	_ =	sdelay $0x3  }
0x15c: {  	s21 =	sor.u32 $0x1460, s20  }
0x15d: {  	[tilespmem:s21+$0x0] =	vst.add.f32.msk $0xffff, v0  }
0x15e: {  	v0 =	vld [tilespmem:s20+$0x9470];
	_ =	sdelay $0x3  }
0x15f: {  	s21 =	sor.u32 $0x1470, s20  }
0x160: {  	[tilespmem:s21+$0x0] =	vst.add.f32.msk $0xffff, v0  }
0x161: {  	v0 =	vld [tilespmem:s20+$0x9800];
	_ =	sdelay $0x3  }
0x162: {  	s21 =	sor.u32 $0x1800, s20  }
0x163: {  	[tilespmem:s21+$0x0] =	vst.add.f32.msk $0xffff, v0  }
0x164: {  	v0 =	vld [tilespmem:s20+$0x9810];
	_ =	sdelay $0x3  }
0x165: {  	s21 =	sor.u32 $0x1810, s20  }
0x166: {  	[tilespmem:s21+$0x0] =	vst.add.f32.msk $0xffff, v0  }
0x167: {  	v0 =	vld [tilespmem:s20+$0x9820];
	_ =	sdelay $0x3  }
0x168: {  	s21 =	sor.u32 $0x1820, s20  }
0x169: {  	[tilespmem:s21+$0x0] =	vst.add.f32.msk $0xffff, v0  }
0x16a: {  	v0 =	vld [tilespmem:s20+$0x9830];
	_ =	sdelay $0x3  }
0x16b: {  	s21 =	sor.u32 $0x1830, s20  }
0x16c: {  	[tilespmem:s21+$0x0] =	vst.add.f32.msk $0xffff, v0  }
0x16d: {  	v0 =	vld [tilespmem:s20+$0x9840];
	_ =	sdelay $0x3  }
0x16e: {  	s21 =	sor.u32 $0x1840, s20  }
0x16f: {  	[tilespmem:s21+$0x0] =	vst.add.f32.msk $0xffff, v0  }
0x170: {  	v0 =	vld [tilespmem:s20+$0x9850];
	_ =	sdelay $0x3  }
0x171: {  	s21 =	sor.u32 $0x1850, s20  }
0x172: {  	[tilespmem:s21+$0x0] =	vst.add.f32.msk $0xffff, v0  }
0x173: {  	v0 =	vld [tilespmem:s20+$0x9860];
	_ =	sdelay $0x3  }
0x174: {  	s21 =	sor.u32 $0x1860, s20  }
0x175: {  	[tilespmem:s21+$0x0] =	vst.add.f32.msk $0xffff, v0  }
0x176: {  	v0 =	vld [tilespmem:s20+$0x9870];
	_ =	sdelay $0x1  }
0x177: {  	s21 =	sand.u32 $0x7, s16  }
0x178: {  	s21 =	sshll.u32 s21, $0x7  }
0x179: {  	s20 =	sor.u32 $0x1870, s20;
	s21 =	sadd.s32 s21, s15  }
0x17a: {  	[tilespmem:s20+$0x0] =	vst.add.f32.msk $0xffff, v0;
	s20 =	sor.u32 $0x1C00, s21  }
0x17b: {  	v0 =	vld [tilespmem:s20+$0x8000];
	_ =	sdelay $0x4  }
0x17c: {  	[tilespmem:s20+$0x0] =	vst.add.f32.msk $0xffff, v0;
	s20 =	sor.u32 $0x1C10, s21  }
0x17d: {  	v0 =	vld [tilespmem:s20+$0x8000];
	_ =	sdelay $0x4  }
0x17e: {  	[tilespmem:s20+$0x0] =	vst.add.f32.msk $0xffff, v0;
	s20 =	sor.u32 $0x1C20, s21  }
0x17f: {  	v0 =	vld [tilespmem:s20+$0x8000];
	_ =	sdelay $0x4  }
0x180: {  	[tilespmem:s20+$0x0] =	vst.add.f32.msk $0xffff, v0;
	s20 =	sor.u32 $0x1C30, s21  }
0x181: {  	v0 =	vld [tilespmem:s20+$0x8000];
	_ =	sdelay $0x4  }
0x182: {  	[tilespmem:s20+$0x0] =	vst.add.f32.msk $0xffff, v0;
	s20 =	sor.u32 $0x1C40, s21  }
0x183: {  	v0 =	vld [tilespmem:s20+$0x8000];
	_ =	sdelay $0x4  }
0x184: {  	[tilespmem:s20+$0x0] =	vst.add.f32.msk $0xffff, v0;
	s20 =	sor.u32 $0x1C50, s21  }
0x185: {  	v0 =	vld [tilespmem:s20+$0x8000];
	_ =	sdelay $0x4  }
0x186: {  	[tilespmem:s20+$0x0] =	vst.add.f32.msk $0xffff, v0;
	s20 =	sor.u32 $0x1C60, s21  }
0x187: {  	v0 =	vld [tilespmem:s20+$0x8000];
	_ =	sdelay $0x4  }
0x188: {  	s21 =	sor.u32 $0x1C70, s21;
	[tilespmem:s20+$0x0] =	vst.add.f32.msk $0xffff, v0  }
.Ltmp0:
0x189: {  	v0 =	vld [tilespmem:s21+$0x8000];
	(pc) =	sbr.rel @p0 .LBB2_3-.Ltmp0, $4  }
0x18a: {  	_ = 	snop  }
0x18b: {  	s17 =	sadd.s32 $0x400, s17  }
0x18c: {  	s19 =	sand.u32 $0x380, s19;
	s20 =	sadd.s32 $0x8000, s17  }
0x18d: {  	s22 =	smov.u32 s18;
	s16 =	sadd.s32 $0x1, s16;
	s20 =	sand.u32 $0x6000, s20  }
0x18e: {  	s17 =	sor.u32 s19, s20;
	[tilespmem:s21+$0x0] =	vst.add.f32.msk $0xffff, v0  }
0x18f: {  	v0 =	vld [tilespmem:s17+$0x8000]  }
0x190: {  	v1 =	vld [tilespmem:s17+$0x8010];
	_ =	sdelay $0x3  }
0x191: {  	s18 =	sor.u32 $0x10, s17;
	[tilespmem:s17+$0x0] =	vst.add.f32.msk $0xffff, v0  }
0x192: {  	[tilespmem:s18+$0x0] =	vst.add.f32.msk $0xffff, v1  }
0x193: {  	v63 =	vld [tilespmem:s17+$0x8020];
	_ =	sdelay $0x3  }
0x194: {  	s31 =	sor.u32 $0x20, s17  }
0x195: {  	[tilespmem:s31+$0x0] =	vst.add.f32.msk $0xffff, v63  }
0x196: {  	v0 =	vld [tilespmem:s17+$0x8030];
	_ =	sdelay $0x3  }
0x197: {  	s19 =	sor.u32 $0x30, s17  }
0x198: {  	[tilespmem:s19+$0x0] =	vst.add.f32.msk $0xffff, v0  }
0x199: {  	v0 =	vld [tilespmem:s17+$0x8040];
	_ =	sdelay $0x3  }
0x19a: {  	s20 =	sor.u32 $0x40, s17  }
0x19b: {  	[tilespmem:s20+$0x0] =	vst.add.f32.msk $0xffff, v0  }
0x19c: {  	v0 =	vld [tilespmem:s17+$0x8050];
	_ =	sdelay $0x3  }
0x19d: {  	s21 =	sor.u32 $0x50, s17  }
0x19e: {  	[tilespmem:s21+$0x0] =	vst.add.f32.msk $0xffff, v0  }
0x19f: {  	v0 =	vld [tilespmem:s17+$0x8060];
	_ =	sdelay $0x3  }
0x1a0: {  	s22 =	sor.u32 $0x60, s17  }
0x1a1: {  	[tilespmem:s22+$0x0] =	vst.add.f32.msk $0xffff, v0  }
0x1a2: {  	v0 =	vld [tilespmem:s17+$0x8070];
	_ =	sdelay $0x3  }
0x1a3: {  	s23 =	sor.u32 $0x70, s17  }
0x1a4: {  	[tilespmem:s23+$0x0] =	vst.add.f32.msk $0xffff, v0  }
0x1a5: {  	v0 =	vld [tilespmem:s17+$0x8400];
	_ =	sdelay $0x3  }
0x1a6: {  	s24 =	sor.u32 $0x400, s17  }
0x1a7: {  	[tilespmem:s24+$0x0] =	vst.add.f32.msk $0xffff, v0  }
0x1a8: {  	v0 =	vld [tilespmem:s17+$0x8410];
	_ =	sdelay $0x3  }
0x1a9: {  	s25 =	sor.u32 $0x410, s17  }
0x1aa: {  	[tilespmem:s25+$0x0] =	vst.add.f32.msk $0xffff, v0  }
0x1ab: {  	v0 =	vld [tilespmem:s17+$0x8420];
	_ =	sdelay $0x3  }
0x1ac: {  	s26 =	sor.u32 $0x420, s17  }
0x1ad: {  	[tilespmem:s26+$0x0] =	vst.add.f32.msk $0xffff, v0  }
0x1ae: {  	v0 =	vld [tilespmem:s17+$0x8430];
	_ =	sdelay $0x3  }
0x1af: {  	s28 =	sor.u32 $0x430, s17  }
0x1b0: {  	[tilespmem:s28+$0x0] =	vst.add.f32.msk $0xffff, v0  }
0x1b1: {  	v0 =	vld [tilespmem:s17+$0x8440];
	_ =	sdelay $0x3  }
0x1b2: {  	s29 =	sor.u32 $0x440, s17  }
0x1b3: {  	[tilespmem:s29+$0x0] =	vst.add.f32.msk $0xffff, v0  }
0x1b4: {  	v0 =	vld [tilespmem:s17+$0x8450];
	_ =	sdelay $0x3  }
0x1b5: {  	s30 =	sor.u32 $0x450, s17  }
0x1b6: {  	[tilespmem:s30+$0x0] =	vst.add.f32.msk $0xffff, v0  }
0x1b7: {  	v0 =	vld [tilespmem:s17+$0x8460];
	_ =	sdelay $0x3  }
0x1b8: {  	s31 =	sor.u32 $0x460, s17  }
0x1b9: {  	[tilespmem:s31+$0x0] =	vst.add.f32.msk $0xffff, v0  }
0x1ba: {  	v0 =	vld [tilespmem:s17+$0x8470];
	_ =	sdelay $0x3  }
0x1bb: {  	s19 =	sor.u32 $0x470, s17  }
0x1bc: {  	[tilespmem:s19+$0x0] =	vst.add.f32.msk $0xffff, v0  }
0x1bd: {  	v0 =	vld [tilespmem:s17+$0x8800];
	_ =	sdelay $0x3  }
0x1be: {  	s20 =	sor.u32 $0x800, s17  }
0x1bf: {  	[tilespmem:s20+$0x0] =	vst.add.f32.msk $0xffff, v0  }
0x1c0: {  	v0 =	vld [tilespmem:s17+$0x8810];
	_ =	sdelay $0x3  }
0x1c1: {  	s21 =	sor.u32 $0x810, s17  }
0x1c2: {  	[tilespmem:s21+$0x0] =	vst.add.f32.msk $0xffff, v0  }
0x1c3: {  	v0 =	vld [tilespmem:s17+$0x8820];
	_ =	sdelay $0x3  }
0x1c4: {  	s22 =	sor.u32 $0x820, s17  }
0x1c5: {  	[tilespmem:s22+$0x0] =	vst.add.f32.msk $0xffff, v0  }
0x1c6: {  	v0 =	vld [tilespmem:s17+$0x8830];
	_ =	sdelay $0x3  }
0x1c7: {  	s23 =	sor.u32 $0x830, s17  }
0x1c8: {  	[tilespmem:s23+$0x0] =	vst.add.f32.msk $0xffff, v0  }
0x1c9: {  	v0 =	vld [tilespmem:s17+$0x8840];
	_ =	sdelay $0x3  }
0x1ca: {  	s24 =	sor.u32 $0x840, s17  }
0x1cb: {  	[tilespmem:s24+$0x0] =	vst.add.f32.msk $0xffff, v0  }
0x1cc: {  	v0 =	vld [tilespmem:s17+$0x8850];
	_ =	sdelay $0x3  }
0x1cd: {  	s25 =	sor.u32 $0x850, s17  }
0x1ce: {  	[tilespmem:s25+$0x0] =	vst.add.f32.msk $0xffff, v0  }
0x1cf: {  	v0 =	vld [tilespmem:s17+$0x8860];
	_ =	sdelay $0x3  }
0x1d0: {  	s26 =	sor.u32 $0x860, s17  }
0x1d1: {  	[tilespmem:s26+$0x0] =	vst.add.f32.msk $0xffff, v0  }
0x1d2: {  	v0 =	vld [tilespmem:s17+$0x8870];
	_ =	sdelay $0x3  }
0x1d3: {  	s28 =	sor.u32 $0x870, s17  }
0x1d4: {  	[tilespmem:s28+$0x0] =	vst.add.f32.msk $0xffff, v0  }
0x1d5: {  	v0 =	vld [tilespmem:s17+$0x8C00];
	_ =	sdelay $0x3  }
0x1d6: {  	s29 =	sor.u32 $0xC00, s17  }
0x1d7: {  	[tilespmem:s29+$0x0] =	vst.add.f32.msk $0xffff, v0  }
0x1d8: {  	v0 =	vld [tilespmem:s17+$0x8C10];
	_ =	sdelay $0x3  }
0x1d9: {  	s30 =	sor.u32 $0xC10, s17  }
0x1da: {  	[tilespmem:s30+$0x0] =	vst.add.f32.msk $0xffff, v0  }
0x1db: {  	v0 =	vld [tilespmem:s17+$0x8C20];
	_ =	sdelay $0x3  }
0x1dc: {  	s31 =	sor.u32 $0xC20, s17  }
0x1dd: {  	[tilespmem:s31+$0x0] =	vst.add.f32.msk $0xffff, v0  }
0x1de: {  	v0 =	vld [tilespmem:s17+$0x8C30];
	_ =	sdelay $0x3  }
0x1df: {  	s19 =	sor.u32 $0xC30, s17  }
0x1e0: {  	[tilespmem:s19+$0x0] =	vst.add.f32.msk $0xffff, v0  }
0x1e1: {  	v0 =	vld [tilespmem:s17+$0x8C40];
	_ =	sdelay $0x3  }
0x1e2: {  	s20 =	sor.u32 $0xC40, s17  }
0x1e3: {  	[tilespmem:s20+$0x0] =	vst.add.f32.msk $0xffff, v0  }
0x1e4: {  	v0 =	vld [tilespmem:s17+$0x8C50];
	_ =	sdelay $0x3  }
0x1e5: {  	s21 =	sor.u32 $0xC50, s17  }
0x1e6: {  	[tilespmem:s21+$0x0] =	vst.add.f32.msk $0xffff, v0  }
0x1e7: {  	v0 =	vld [tilespmem:s17+$0x8C60];
	_ =	sdelay $0x3  }
0x1e8: {  	s22 =	sor.u32 $0xC60, s17  }
0x1e9: {  	[tilespmem:s22+$0x0] =	vst.add.f32.msk $0xffff, v0  }
0x1ea: {  	v0 =	vld [tilespmem:s17+$0x8C70];
	_ =	sdelay $0x3  }
0x1eb: {  	s23 =	sor.u32 $0xC70, s17  }
0x1ec: {  	[tilespmem:s23+$0x0] =	vst.add.f32.msk $0xffff, v0  }
0x1ed: {  	v0 =	vld [tilespmem:s17+$0x9000];
	_ =	sdelay $0x3  }
0x1ee: {  	s24 =	sor.u32 $0x1000, s17  }
0x1ef: {  	[tilespmem:s24+$0x0] =	vst.add.f32.msk $0xffff, v0  }
0x1f0: {  	v0 =	vld [tilespmem:s17+$0x9010];
	_ =	sdelay $0x3  }
0x1f1: {  	s25 =	sor.u32 $0x1010, s17  }
0x1f2: {  	[tilespmem:s25+$0x0] =	vst.add.f32.msk $0xffff, v0  }
0x1f3: {  	v0 =	vld [tilespmem:s17+$0x9020];
	_ =	sdelay $0x3  }
0x1f4: {  	s26 =	sor.u32 $0x1020, s17  }
0x1f5: {  	[tilespmem:s26+$0x0] =	vst.add.f32.msk $0xffff, v0  }
0x1f6: {  	v0 =	vld [tilespmem:s17+$0x9030];
	_ =	sdelay $0x3  }
0x1f7: {  	s28 =	sor.u32 $0x1030, s17  }
0x1f8: {  	[tilespmem:s28+$0x0] =	vst.add.f32.msk $0xffff, v0  }
0x1f9: {  	v0 =	vld [tilespmem:s17+$0x9040];
	_ =	sdelay $0x3  }
0x1fa: {  	s29 =	sor.u32 $0x1040, s17  }
0x1fb: {  	[tilespmem:s29+$0x0] =	vst.add.f32.msk $0xffff, v0  }
0x1fc: {  	v0 =	vld [tilespmem:s17+$0x9050];
	_ =	sdelay $0x3  }
0x1fd: {  	s30 =	sor.u32 $0x1050, s17  }
0x1fe: {  	[tilespmem:s30+$0x0] =	vst.add.f32.msk $0xffff, v0  }
0x1ff: {  	v0 =	vld [tilespmem:s17+$0x9060];
	_ =	sdelay $0x3  }
0x200: {  	s31 =	sor.u32 $0x1060, s17  }
0x201: {  	[tilespmem:s31+$0x0] =	vst.add.f32.msk $0xffff, v0  }
0x202: {  	v0 =	vld [tilespmem:s17+$0x9070];
	_ =	sdelay $0x3  }
0x203: {  	s19 =	sor.u32 $0x1070, s17  }
0x204: {  	[tilespmem:s19+$0x0] =	vst.add.f32.msk $0xffff, v0  }
0x205: {  	v0 =	vld [tilespmem:s17+$0x9400];
	_ =	sdelay $0x3  }
0x206: {  	s20 =	sor.u32 $0x1400, s17  }
0x207: {  	[tilespmem:s20+$0x0] =	vst.add.f32.msk $0xffff, v0  }
0x208: {  	v0 =	vld [tilespmem:s17+$0x9410];
	_ =	sdelay $0x3  }
0x209: {  	s21 =	sor.u32 $0x1410, s17  }
0x20a: {  	[tilespmem:s21+$0x0] =	vst.add.f32.msk $0xffff, v0  }
0x20b: {  	v0 =	vld [tilespmem:s17+$0x9420];
	_ =	sdelay $0x3  }
0x20c: {  	s22 =	sor.u32 $0x1420, s17  }
0x20d: {  	[tilespmem:s22+$0x0] =	vst.add.f32.msk $0xffff, v0  }
0x20e: {  	v0 =	vld [tilespmem:s17+$0x9430];
	_ =	sdelay $0x3  }
0x20f: {  	s23 =	sor.u32 $0x1430, s17  }
0x210: {  	[tilespmem:s23+$0x0] =	vst.add.f32.msk $0xffff, v0  }
0x211: {  	v0 =	vld [tilespmem:s17+$0x9440];
	_ =	sdelay $0x3  }
0x212: {  	s24 =	sor.u32 $0x1440, s17  }
0x213: {  	[tilespmem:s24+$0x0] =	vst.add.f32.msk $0xffff, v0  }
0x214: {  	v0 =	vld [tilespmem:s17+$0x9450];
	_ =	sdelay $0x3  }
0x215: {  	s25 =	sor.u32 $0x1450, s17  }
0x216: {  	[tilespmem:s25+$0x0] =	vst.add.f32.msk $0xffff, v0  }
0x217: {  	v0 =	vld [tilespmem:s17+$0x9460];
	_ =	sdelay $0x3  }
0x218: {  	s26 =	sor.u32 $0x1460, s17  }
0x219: {  	[tilespmem:s26+$0x0] =	vst.add.f32.msk $0xffff, v0  }
0x21a: {  	v0 =	vld [tilespmem:s17+$0x9470];
	_ =	sdelay $0x3  }
0x21b: {  	s28 =	sor.u32 $0x1470, s17  }
0x21c: {  	[tilespmem:s28+$0x0] =	vst.add.f32.msk $0xffff, v0  }
0x21d: {  	v0 =	vld [tilespmem:s17+$0x9800];
	_ =	sdelay $0x3  }
0x21e: {  	s29 =	sor.u32 $0x1800, s17  }
0x21f: {  	[tilespmem:s29+$0x0] =	vst.add.f32.msk $0xffff, v0  }
0x220: {  	v0 =	vld [tilespmem:s17+$0x9810];
	_ =	sdelay $0x3  }
0x221: {  	s30 =	sor.u32 $0x1810, s17  }
0x222: {  	[tilespmem:s30+$0x0] =	vst.add.f32.msk $0xffff, v0  }
0x223: {  	v0 =	vld [tilespmem:s17+$0x9820];
	_ =	sdelay $0x3  }
0x224: {  	s31 =	sor.u32 $0x1820, s17  }
0x225: {  	[tilespmem:s31+$0x0] =	vst.add.f32.msk $0xffff, v0  }
0x226: {  	v0 =	vld [tilespmem:s17+$0x9830];
	_ =	sdelay $0x3  }
0x227: {  	s19 =	sor.u32 $0x1830, s17  }
0x228: {  	[tilespmem:s19+$0x0] =	vst.add.f32.msk $0xffff, v0  }
0x229: {  	v0 =	vld [tilespmem:s17+$0x9840];
	_ =	sdelay $0x3  }
0x22a: {  	s20 =	sor.u32 $0x1840, s17  }
0x22b: {  	[tilespmem:s20+$0x0] =	vst.add.f32.msk $0xffff, v0  }
0x22c: {  	v0 =	vld [tilespmem:s17+$0x9850];
	_ =	sdelay $0x3  }
0x22d: {  	s21 =	sor.u32 $0x1850, s17  }
0x22e: {  	[tilespmem:s21+$0x0] =	vst.add.f32.msk $0xffff, v0  }
0x22f: {  	v0 =	vld [tilespmem:s17+$0x9860];
	_ =	sdelay $0x3  }
0x230: {  	s22 =	sor.u32 $0x1860, s17  }
0x231: {  	[tilespmem:s22+$0x0] =	vst.add.f32.msk $0xffff, v0  }
0x232: {  	v0 =	vld [tilespmem:s17+$0x9870];
	_ =	sdelay $0x1  }
0x233: {  	s16 =	sand.u32 $0x7, s16  }
0x234: {  	s15 =	sadd.s32 $0x400, s15;
	s16 =	sshll.u32 s16, $0x7  }
0x235: {  	s15 =	sadd.s32 s16, s15;
	s23 =	sor.u32 $0x1870, s17  }
0x236: {  	s24 =	sor.u32 $0x1C00, s15;
	[tilespmem:s23+$0x0] =	vst.add.f32.msk $0xffff, v0  }
0x237: {  	v0 =	vld [tilespmem:s24+$0x8000];
	_ =	sdelay $0x4  }
0x238: {  	s25 =	sor.u32 $0x1C10, s15;
	[tilespmem:s24+$0x0] =	vst.add.f32.msk $0xffff, v0  }
0x239: {  	v0 =	vld [tilespmem:s25+$0x8000];
	_ =	sdelay $0x4  }
0x23a: {  	s26 =	sor.u32 $0x1C20, s15;
	[tilespmem:s25+$0x0] =	vst.add.f32.msk $0xffff, v0  }
0x23b: {  	v0 =	vld [tilespmem:s26+$0x8000];
	_ =	sdelay $0x4  }
0x23c: {  	s28 =	sor.u32 $0x1C30, s15;
	[tilespmem:s26+$0x0] =	vst.add.f32.msk $0xffff, v0  }
0x23d: {  	v0 =	vld [tilespmem:s28+$0x8000];
	_ =	sdelay $0x4  }
0x23e: {  	s29 =	sor.u32 $0x1C40, s15;
	[tilespmem:s28+$0x0] =	vst.add.f32.msk $0xffff, v0  }
0x23f: {  	v0 =	vld [tilespmem:s29+$0x8000];
	_ =	sdelay $0x4  }
0x240: {  	s30 =	sor.u32 $0x1C50, s15;
	[tilespmem:s29+$0x0] =	vst.add.f32.msk $0xffff, v0  }
0x241: {  	v0 =	vld [tilespmem:s30+$0x8000];
	_ =	sdelay $0x4  }
0x242: {  	s31 =	sor.u32 $0x1C60, s15;
	[tilespmem:s30+$0x0] =	vst.add.f32.msk $0xffff, v0  }
0x243: {  	v0 =	vld [tilespmem:s31+$0x8000];
	_ =	sdelay $0x4  }
0x244: {  	s15 =	sor.u32 $0x1C70, s15;
	[tilespmem:s31+$0x0] =	vst.add.f32.msk $0xffff, v0  }
0x245: {  	v0 =	vld [tilespmem:s15+$0x8000];
	_ =	sdelay $0x2  }
0x246: {  	s13 =	sadd.s32 $0x1, s13  }
0x247: {  	p0 =	sne.s32 s13, $0x20  }
.Ltmp1:
0x248: {  	s14 =	sadd.s32 s3, s14;
	[tilespmem:s15+$0x0] =	vst.add.f32.msk $0xffff, v0;
	(pc) =	sbr.rel @p0 .LBB2_2-.Ltmp1, $4  }
0x249: {  	[hbm4b:s14+s5] =	stream.linear.scatter [tilespmem:s5], [sflag:$0x3], $0x8000, $0x38;
	[tilespmem:$0x10000] =	vst v63  }
0x24a: {  	_ =	swait.ge [sflag:s11], $0x8000  }
0x24b: {  	[sflag:s11] =	ssyncset.done $0x0  }
0x24c: {  	[sflag:s11] =	ssyncadd.s32 $0xFFFF8000  }
0x24d: {  	s12 =	sadd.s32 $0x1, s12  }
0x24e: {  	p0 =	sne.s32 s12, s7  }
.Ltmp2:
0x24f: {  	_ = 	snop;
	(pc) =	sbr.rel @p0 .LBB2_1-.Ltmp2, $1  }
0x250: {  	_ =	sdelay $0x3  }
0x251: {  	_ =	sfence.sel $0x180000  }
0x252: {  	[bflag:$0x0] =	sbarrier.arrive $0xFFFF  }
0x253: {  	p0 =	sne.s32 s4, $0x0;
	_ =	strace $0x90000047  }
0x254: {  	s0 =	sadd.s32 @!p0 $0x100000, s0;
	[bflag:$0x2] =	sbarrier.arrive $0xFFFF  }
0x255: {  	[sflag:s0] =	ssyncadd.tile.s32 @!p0 $0x1;
	_ =	shalt  }
.Lfunc_end2:
_tile_overlayer_lowered:
.L_overlay_start_2:
0x256: {  	(tag) =	ssettag $0x2  }
0x257: {  	s0 =	rddreg [dreg:$0x0];
	s2 =	stileid.u32  }
0x258: {  	s1 =	rddreg [dreg:$0x1];
	p0 =	sne.s32 s2, $0x0  }
0x259: {  	s3 =	rddreg [dreg:$0x2];
	[bflag:$0x3] =	sbarrier.arrive $0xFFFF;
	s2 =	simm.s32 @!p0 $0x1C03  }
0x25a: {  	[timem:s3], [sflag:s2] =	dma.local @!p0 [hbm:s0], s1  }
0x25b: {  	s0 =	simm.s32 @!p0 $0x3  }
0x25c: {  	_ =	swait.ge @!p0 [sflag:s0], s1  }
0x25d: {  	s1 =	ssub.s32 @!p0 $0x0, s1;
	[sflag:s0] =	ssyncset.done @!p0 $0x0  }
0x25e: {  	[sflag:s0] =	ssyncadd.s32 @!p0 s1  }
0x25f: {  	[bflag:$0x3] =	sbarrier.arrive $0xFFFF  }
0x260: {  	_ =	shalt  }

</sc_bundles>
